<compile_context>
chip_gen: v7x
topology: tpu7x:2x2x1
jax: 0.10.2.dev20260603
libtpu: 0.0.44.dev20260713+nightly
codegen_flags: <defaults>
</compile_context>

<pallas_src>
import functools

import jax
import jax.numpy as jnp
from jax import lax
from jax.experimental import pallas as pl
from jax.experimental.pallas import tpu as pltpu
from jax.experimental.pallas import tpu_sc as plsc

N = 2048
D = 1024
H = 512
E = 8
BLK = 512
NBLK = (N * 2) // BLK + E
P_PAD = NBLK * BLK
NW = 32
TPW = N // NW


def _router_body(x_ref, wg_ref, p0_ref, p1_ref, w0_ref, w1_ref, be_ref, nb_ref):
    xv = x_ref[...]
    wg = wg_ref[...]
    logits = jnp.dot(xv, wg, preferred_element_type=jnp.float32)
    lane = lax.broadcasted_iota(jnp.int32, (N, 16), 1)
    valid = lane < E
    lm = jnp.where(valid, logits, -1e30)
    m = jnp.max(lm, axis=1, keepdims=True)
    ex = jnp.where(valid, jnp.exp(lm - m), 0.0)
    p = ex / jnp.sum(ex, axis=1, keepdims=True)

    g0 = jnp.max(p, axis=1, keepdims=True)
    i0 = jnp.min(jnp.where(p >= g0, lane, 99), axis=1, keepdims=True)
    oh0 = lane == i0
    pm = jnp.where(oh0 | ~valid, -1.0, p)
    g1 = jnp.max(pm, axis=1, keepdims=True)
    i1 = jnp.min(jnp.where(pm >= g1, lane, 99), axis=1, keepdims=True)
    oh1 = lane == i1

    denom = g0 + g1 + 1e-6
    w0_ref[...] = g0 / denom
    w1_ref[...] = g1 / denom

    oh0f = oh0.astype(jnp.float32)
    oh1f = oh1.astype(jnp.float32)
    CH = 256
    r = lax.broadcasted_iota(jnp.int32, (CH, CH), 0)
    c = lax.broadcasted_iota(jnp.int32, (CH, CH), 1)
    tri = (c < r).astype(jnp.float32)
    parts0, parts1 = [], []
    carry0 = jnp.zeros((1, 16), jnp.float32)
    carry1 = jnp.zeros((1, 16), jnp.float32)
    for ch in range(N // CH):
        s0 = oh0f[ch * CH:(ch + 1) * CH]
        s1 = oh1f[ch * CH:(ch + 1) * CH]
        c0 = jnp.dot(tri, s0, preferred_element_type=jnp.float32) + carry0
        c1 = jnp.dot(tri, s1, preferred_element_type=jnp.float32) + carry1
        parts0.append(jnp.sum(c0 * s0, axis=1, keepdims=True))
        parts1.append(jnp.sum(c1 * s1, axis=1, keepdims=True))
        carry0 = carry0 + jnp.sum(s0, axis=0, keepdims=True)
        carry1 = carry1 + jnp.sum(s1, axis=0, keepdims=True)
    tot0 = carry0
    tot1 = carry1
    counts = tot0 + tot1
    pc = jnp.ceil(counts / BLK) * BLK
    le = lax.broadcasted_iota(jnp.int32, (16, 16), 0)
    ce = lax.broadcasted_iota(jnp.int32, (16, 16), 1)
    m16 = (le < ce).astype(jnp.float32)
    poff = jnp.dot(pc, m16, preferred_element_type=jnp.float32)

    rank0 = jnp.concatenate(parts0, axis=0)
    rank1 = (jnp.concatenate(parts1, axis=0)
             + jnp.sum(tot0 * oh1f, axis=1, keepdims=True))
    base0 = jnp.sum(poff * oh0f, axis=1, keepdims=True)
    base1 = jnp.sum(poff * oh1f, axis=1, keepdims=True)
    p0_ref[...] = (base0 + rank0).astype(jnp.int32)
    p1_ref[...] = (base1 + rank1).astype(jnp.int32)

    bstart = poff / BLK
    nbf = jnp.sum(pc, axis=1, keepdims=True) / BLK
    jb = lax.broadcasted_iota(jnp.int32, (128, 16), 0).astype(jnp.float32)
    jb = jnp.minimum(jb, nbf - 1.0)
    becnt = jnp.sum((bstart <= jb).astype(jnp.int32), axis=1, keepdims=True)
    be_ref[...] = jnp.clip(becnt - 1, 0, E - 1)
    nb_ref[...] = nbf.astype(jnp.int32)


def _router(x2d, wg):
    f32 = jnp.float32
    return pl.pallas_call(
        _router_body,
        out_shape=(
            jax.ShapeDtypeStruct((N, 1), jnp.int32),
            jax.ShapeDtypeStruct((N, 1), jnp.int32),
            jax.ShapeDtypeStruct((N, 1), f32),
            jax.ShapeDtypeStruct((N, 1), f32),
            jax.ShapeDtypeStruct((128, 1), jnp.int32),
            jax.ShapeDtypeStruct((1, 1), jnp.int32),
        ),
    )(x2d, wg)


@functools.cache
def _sc_mesh():
    return plsc.VectorSubcoreMesh(core_axis_name="c", subcore_axis_name="s")


@functools.cache
def _sc_dispatch_call():
    @functools.partial(
        pl.kernel,
        out_type=jax.ShapeDtypeStruct((P_PAD, D), jnp.float32),
        mesh=_sc_mesh(),
        scratch_types=[
            pltpu.VMEM((TPW,), jnp.int32),
            pltpu.VMEM((TPW,), jnp.int32),
            pltpu.VMEM((TPW, D), jnp.float32),
            pltpu.SemaphoreType.DMA,
        ],
    )
    def _sc_dispatch(x_hbm, p0_hbm, p1_hbm, xs_hbm, i0_v, i1_v, rows_v, sem):
        wid = lax.axis_index("s") * 2 + lax.axis_index("c")
        base = wid * TPW
        pltpu.sync_copy(p0_hbm.at[pl.ds(base, TPW)], i0_v)
        pltpu.sync_copy(p1_hbm.at[pl.ds(base, TPW)], i1_v)
        pltpu.sync_copy(x_hbm.at[pl.ds(base, TPW)], rows_v)
        c0 = pltpu.async_copy(rows_v, xs_hbm.at[i0_v], sem)
        c1 = pltpu.async_copy(rows_v, xs_hbm.at[i1_v], sem)
        c0.wait()
        c1.wait()

    return _sc_dispatch


@functools.cache
def _sc_combine_call():
    @functools.partial(
        pl.kernel,
        out_type=(
            jax.ShapeDtypeStruct((N, D), jnp.float32),
            jax.ShapeDtypeStruct((N, D), jnp.float32),
        ),
        mesh=_sc_mesh(),
        scratch_types=[
            pltpu.VMEM((TPW,), jnp.int32),
            pltpu.VMEM((TPW,), jnp.int32),
            pltpu.VMEM((TPW // 2, D), jnp.float32),
            pltpu.VMEM((TPW // 2, D), jnp.float32),
            pltpu.SemaphoreType.DMA,
        ],
    )
    def _sc_combine(outs_hbm, p0_hbm, p1_hbm, o0_hbm, o1_hbm,
                    i0_v, i1_v, buf_a, buf_b, sem):
        wid = lax.axis_index("s") * 2 + lax.axis_index("c")
        base = wid * TPW
        half = TPW // 2
        pltpu.sync_copy(p0_hbm.at[pl.ds(base, TPW)], i0_v)
        pltpu.sync_copy(p1_hbm.at[pl.ds(base, TPW)], i1_v)
        ga = pltpu.async_copy(outs_hbm.at[i0_v.at[pl.ds(0, half)]], buf_a, sem)
        gb = pltpu.async_copy(outs_hbm.at[i0_v.at[pl.ds(half, half)]], buf_b, sem)
        ga.wait()
        pltpu.sync_copy(buf_a, o0_hbm.at[pl.ds(base, half)])
        ga = pltpu.async_copy(outs_hbm.at[i1_v.at[pl.ds(0, half)]], buf_a, sem)
        gb.wait()
        pltpu.sync_copy(buf_b, o0_hbm.at[pl.ds(base + half, half)])
        gb = pltpu.async_copy(outs_hbm.at[i1_v.at[pl.ds(half, half)]], buf_b, sem)
        ga.wait()
        pltpu.sync_copy(buf_a, o1_hbm.at[pl.ds(base, half)])
        gb.wait()
        pltpu.sync_copy(buf_b, o1_hbm.at[pl.ds(base + half, half)])

    return _sc_combine


def _expert_body(be_ref, nb_ref, xs_ref, w1_ref, b1_ref, w2_ref, b2_ref, o_ref):
    j = pl.program_id(0)

    @pl.when(j < nb_ref[0])
    def _():
        xb = xs_ref[...]
        h = jnp.dot(xb, w1_ref[0], preferred_element_type=jnp.float32)
        h = h + b1_ref[0]
        h = 0.5 * h * (1.0 + lax.erf(h * 0.7071067811865476))
        o = jnp.dot(h, w2_ref[0], preferred_element_type=jnp.float32)
        o_ref[...] = o + b2_ref[0]


def _experts(be, nb, xs, w1, b1, w2, b2):
    grid_spec = pltpu.PrefetchScalarGridSpec(
        num_scalar_prefetch=2,
        grid=(NBLK,),
        in_specs=[
            pl.BlockSpec((BLK, D),
                         lambda j, be, nb: (jnp.minimum(j, nb[0] - 1), 0)),
            pl.BlockSpec((1, D, H), lambda j, be, nb: (be[j], 0, 0)),
            pl.BlockSpec((1, 1, H), lambda j, be, nb: (be[j], 0, 0)),
            pl.BlockSpec((1, H, D), lambda j, be, nb: (be[j], 0, 0)),
            pl.BlockSpec((1, 1, D), lambda j, be, nb: (be[j], 0, 0)),
        ],
        out_specs=pl.BlockSpec((BLK, D),
                               lambda j, be, nb: (jnp.minimum(j, nb[0] - 1), 0)),
    )
    return pl.pallas_call(
        _expert_body,
        grid_spec=grid_spec,
        out_shape=jax.ShapeDtypeStruct((P_PAD, D), jnp.float32),
    )(be, nb, xs, w1, b1, w2, b2)


def _mix_body(o0_ref, o1_ref, w0_ref, w1_ref, y_ref):
    y_ref[...] = w0_ref[...] * o0_ref[...] + w1_ref[...] * o1_ref[...]


def _mix(o0, o1, w0, w1):
    nb = 4
    rows = N // nb
    return pl.pallas_call(
        _mix_body,
        grid=(nb,),
        in_specs=[
            pl.BlockSpec((rows, D), lambda i: (i, 0)),
            pl.BlockSpec((rows, D), lambda i: (i, 0)),
            pl.BlockSpec((rows, 1), lambda i: (i, 0)),
            pl.BlockSpec((rows, 1), lambda i: (i, 0)),
        ],
        out_specs=pl.BlockSpec((rows, D), lambda i: (i, 0)),
        out_shape=jax.ShapeDtypeStruct((N, D), jnp.float32),
    )(o0, o1, w0, w1)


@jax.jit
def kernel(x, task_bh, Wg, W1, b1, W2, b2):
    bsz, length, d = x.shape
    x2d = x.reshape(N, D)
    p0, p1, w0, w1g, be, nbk = _router(x2d, Wg)
    p0f = p0.reshape(N)
    p1f = p1.reshape(N)
    xs = _sc_dispatch_call()(x2d, p0f, p1f)
    outs = _experts(
        be.reshape(128), nbk.reshape(1), xs,
        W1, b1.reshape(E, 1, H), W2, b2.reshape(E, 1, D),
    )
    o0, o1 = _sc_combine_call()(outs, p0f, p1f)
    y = _mix(o0, o1, w0, w1g)
    return (y.reshape(bsz, length, d), jnp.float32(0.0))

# --- scband reference (transcript-rebuilt; emitter-appended) ---
"""Pipeline reference for scband-mo-e-57389353009460 (READ-ONLY COPY).

The authoritative reference and input builder live on the scoring server;
editing this copy changes nothing except your own understanding.
"""

import jax, jax.numpy as jnp
import numpy as np

TOP_K = 2

def setup_inputs(seed: int = 0) -> dict:
    key = jax.random.key(seed)
    k1, k2, k3, k4, k5, k6 = jax.random.split(key, 6)
    E, D, H = 8, 1024, 512
    x = jax.random.normal(k1, (1, 2048, D), dtype=jnp.float32)
    # gating linear: Linear(D, 2*E, bias=False); torch zero-inits it, we use small
    # random weights so routing is nontrivial for benchmarking.
    Wg = jax.random.normal(k2, (D, 2 * E), dtype=jnp.float32) * 0.02
    # ParallelExperts init: uniform(-1/fan_in, 1/fan_in)
    W1 = jax.random.uniform(k3, (E, D, H), minval=-1.0 / D, maxval=1.0 / D, dtype=jnp.float32)
    b1 = jax.random.uniform(k4, (E, H), minval=-1.0 / np.sqrt(D), maxval=1.0 / np.sqrt(D), dtype=jnp.float32)
    W2 = jax.random.uniform(k5, (E, H, D), minval=-1.0 / H, maxval=1.0 / H, dtype=jnp.float32)
    b2 = jax.random.uniform(k6, (E, D), minval=-1.0 / np.sqrt(H), maxval=1.0 / np.sqrt(H), dtype=jnp.float32)
    task_bh = 0
    return {"x": x, "task_bh": task_bh, "Wg": Wg, "W1": W1, "b1": b1, "W2": W2, "b2": b2}

def reference(x, task_bh, Wg, W1, b1, W2, b2):
    # Eval-mode MoE forward (noisy gating noise disabled, as torch does when not training).
    bsz, length, D = x.shape
    E = W1.shape[0]
    xf = x.reshape(-1, D)
    N = xf.shape[0]
    logits = xf @ Wg                      # [N, 2E]
    clean_logits = logits[:, :E]          # noisy half unused in eval
    probs = jax.nn.softmax(clean_logits, axis=1)
    top_g, top_i = jax.lax.top_k(probs, TOP_K)
    top_g = top_g / (jnp.sum(top_g, axis=1, keepdims=True) + 1e-6)
    gates = jnp.zeros((N, E), dtype=x.dtype).at[jnp.arange(N)[:, None], top_i].set(top_g)
    # Dense-equivalent expert compute: y_n = sum_e gates[n,e] * f_e(x_n).
    # Mathematically identical to the sorted dispatch + ParallelLinear grouped matmul
    # (gates are exactly zero for non-selected experts).
    def per_expert(w1, bb1, w2, bb2):
        h = jax.nn.gelu(xf @ w1 + bb1, approximate=False)  # torch nn.GELU (exact)
        return h @ w2 + bb2
    outs = jax.vmap(per_expert)(W1, b1, W2, b2)            # [E, N, D]
    y = jnp.einsum('ne,end->nd', gates, outs)
    y = y.reshape(bsz, length, D)
    # aux loss: cvloss = switchloss = zloss = 0 coefficients -> loss = 0
    loss = jnp.float32(0.0)
    return (y, loss)

if __name__ == "__main__":
    import jax
    _d = setup_inputs()
    print(jax.jit(kernel)(*tuple(_d.values())))

</pallas_src>

<mosaic_0001>
#map = affine_map<(d0, d1) -> (0, 0)>
#map1 = affine_map<(d0, d1) -> (0)>
module attributes {stable_mosaic.version = 14 : i64} {
  func.func @_sc_combine(%arg0: i32, %arg1: i32, %arg2: memref<8192x1024xf32, #tpu.memory_space<hbm>>, %arg3: memref<2048xi32, #tpu.memory_space<hbm>>, %arg4: memref<2048xi32, #tpu.memory_space<hbm>>, %arg5: memref<2048x1024xf32, #tpu.memory_space<hbm>>, %arg6: memref<2048x1024xf32, #tpu.memory_space<hbm>>, %arg7: memref<64xi32, #tpu.memory_space<vmem>>, %arg8: memref<64xi32, #tpu.memory_space<vmem>>, %arg9: memref<32x1024xf32, #tpu.memory_space<vmem>>, %arg10: memref<32x1024xf32, #tpu.memory_space<vmem>>, %arg11: memref<!tpu.dma_semaphore, #tpu.memory_space<semaphore_mem>>) attributes {dimension_semantics = [#tpu.dimension_semantics<core_parallel>, #tpu.dimension_semantics<subcore_parallel>], iteration_bounds = array<i64: 2, 16>, scalar_prefetch = 0 : i64, scratch_operands = 5 : i64, tpu.core_type = #tpu.core_type<sc_vector_subcore>, window_params = [{transform_indices = #map}, {transform_indices = #map1}, {transform_indices = #map1}, {transform_indices = #map}, {transform_indices = #map}]} {
    %mul3A = arith.constant 2 : i32
    %mul3A_0 = arith.muli %arg1, %mul3A : i32
    %add3A = arith.addi %mul3A_0, %arg0 : i32
    %mul3A_1 = arith.constant 64 : i32
    %mul3A_2 = arith.muli %add3A, %mul3A_1 : i32
    "tpu.region"() ({
      %run_scoped3A = tpu.sem_alloc : memref<!tpu.dma_semaphore, #tpu.memory_space<semaphore_mem>>
      %dma_start3A_45 = tpu.memref_slice %arg3[%mul3A_2] : memref<2048xi32, #tpu.memory_space<hbm>> -> memref<64xi32, #tpu.memory_space<hbm>>
      %dma_start3A_46 = tpu.memref_slice %arg3[%mul3A_2] : memref<2048xi32, #tpu.memory_space<hbm>> -> memref<64xi32, #tpu.memory_space<hbm>>
      tpu.enqueue_dma source(%dma_start3A_46 : memref<64xi32, #tpu.memory_space<hbm>>) target(%arg7 : memref<64xi32, #tpu.memory_space<vmem>>) target_semaphore(%run_scoped3A : memref<!tpu.dma_semaphore, #tpu.memory_space<semaphore_mem>>)
      %dma_wait3A_47 = tpu.memref_slice %arg3[%mul3A_2] : memref<2048xi32, #tpu.memory_space<hbm>> -> memref<64xi32, #tpu.memory_space<hbm>>
      %dma_wait3A_48 = tpu.memref_slice %arg3[%mul3A_2] : memref<2048xi32, #tpu.memory_space<hbm>> -> memref<64xi32, #tpu.memory_space<hbm>>
      tpu.wait_dma2 semaphore(%run_scoped3A : memref<!tpu.dma_semaphore, #tpu.memory_space<semaphore_mem>>) src(%dma_wait3A_48 : memref<64xi32, #tpu.memory_space<hbm>>) dst(%arg7 : memref<64xi32, #tpu.memory_space<vmem>>)
      tpu.yield
    }) : () -> ()
    "tpu.region"() ({
      %run_scoped3A = tpu.sem_alloc : memref<!tpu.dma_semaphore, #tpu.memory_space<semaphore_mem>>
      %dma_start3A_45 = tpu.memref_slice %arg4[%mul3A_2] : memref<2048xi32, #tpu.memory_space<hbm>> -> memref<64xi32, #tpu.memory_space<hbm>>
      %dma_start3A_46 = tpu.memref_slice %arg4[%mul3A_2] : memref<2048xi32, #tpu.memory_space<hbm>> -> memref<64xi32, #tpu.memory_space<hbm>>
      tpu.enqueue_dma source(%dma_start3A_46 : memref<64xi32, #tpu.memory_space<hbm>>) target(%arg8 : memref<64xi32, #tpu.memory_space<vmem>>) target_semaphore(%run_scoped3A : memref<!tpu.dma_semaphore, #tpu.memory_space<semaphore_mem>>)
      %dma_wait3A_47 = tpu.memref_slice %arg4[%mul3A_2] : memref<2048xi32, #tpu.memory_space<hbm>> -> memref<64xi32, #tpu.memory_space<hbm>>
      %dma_wait3A_48 = tpu.memref_slice %arg4[%mul3A_2] : memref<2048xi32, #tpu.memory_space<hbm>> -> memref<64xi32, #tpu.memory_space<hbm>>
      tpu.wait_dma2 semaphore(%run_scoped3A : memref<!tpu.dma_semaphore, #tpu.memory_space<semaphore_mem>>) src(%dma_wait3A_48 : memref<64xi32, #tpu.memory_space<hbm>>) dst(%arg8 : memref<64xi32, #tpu.memory_space<vmem>>)
      tpu.yield
    }) : () -> ()
    %dma_start3A = arith.constant 0 : i32
    %dma_start3A_3 = tpu.memref_slice %arg7[%dma_start3A] : memref<64xi32, #tpu.memory_space<vmem>> -> memref<32xi32, #tpu.memory_space<vmem>>
    %dma_start3A_4 = arith.constant 0 : i32
    %dma_start3A_5 = arith.constant 0 : i32
    %dma_start3A_6 = tpu.memref_slice %arg2[%dma_start3A_4, %dma_start3A_5] : memref<8192x1024xf32, #tpu.memory_space<hbm>> -> memref<8192x1024xf32, #tpu.memory_space<hbm>>
    tpu.enqueue_indirect_dma source(%dma_start3A_6 : memref<8192x1024xf32, #tpu.memory_space<hbm>>) target(%arg9 : memref<32x1024xf32, #tpu.memory_space<vmem>>) offsets(%dma_start3A_3 : memref<32xi32, #tpu.memory_space<vmem>>) semaphore(%arg11 : memref<!tpu.dma_semaphore, #tpu.memory_space<semaphore_mem>>)
    %dma_start3A_7 = arith.constant 32 : i32
    %dma_start3A_8 = tpu.memref_slice %arg7[%dma_start3A_7] : memref<64xi32, #tpu.memory_space<vmem>> -> memref<32xi32, #tpu.memory_space<vmem>>
    %dma_start3A_9 = arith.constant 0 : i32
    %dma_start3A_10 = arith.constant 0 : i32
    %dma_start3A_11 = tpu.memref_slice %arg2[%dma_start3A_9, %dma_start3A_10] : memref<8192x1024xf32, #tpu.memory_space<hbm>> -> memref<8192x1024xf32, #tpu.memory_space<hbm>>
    tpu.enqueue_indirect_dma source(%dma_start3A_11 : memref<8192x1024xf32, #tpu.memory_space<hbm>>) target(%arg10 : memref<32x1024xf32, #tpu.memory_space<vmem>>) offsets(%dma_start3A_8 : memref<32xi32, #tpu.memory_space<vmem>>) semaphore(%arg11 : memref<!tpu.dma_semaphore, #tpu.memory_space<semaphore_mem>>)
    %dma_wait3A = arith.constant 0 : i32
    %dma_wait3A_12 = tpu.memref_slice %arg7[%dma_wait3A] : memref<64xi32, #tpu.memory_space<vmem>> -> memref<32xi32, #tpu.memory_space<vmem>>
    %dma_wait3A_13 = arith.constant 0 : i32
    %dma_wait3A_14 = arith.constant 0 : i32
    %dma_wait3A_15 = tpu.memref_slice %arg2[%dma_wait3A_13, %dma_wait3A_14] : memref<8192x1024xf32, #tpu.memory_space<hbm>> -> memref<8192x1024xf32, #tpu.memory_space<hbm>>
    tpu.wait_indirect_dma semaphore(%arg11 : memref<!tpu.dma_semaphore, #tpu.memory_space<semaphore_mem>>) src(%dma_wait3A_15 : memref<8192x1024xf32, #tpu.memory_space<hbm>>) dst(%arg9 : memref<32x1024xf32, #tpu.memory_space<vmem>>)
    "tpu.region"() ({
      %run_scoped3A = tpu.sem_alloc : memref<!tpu.dma_semaphore, #tpu.memory_space<semaphore_mem>>
      %dma_start3A_45 = arith.constant 0 : i32
      %dma_start3A_46 = tpu.memref_slice %arg5[%mul3A_2, %dma_start3A_45] : memref<2048x1024xf32, #tpu.memory_space<hbm>> -> memref<32x1024xf32, #tpu.memory_space<hbm>>
      %dma_start3A_47 = arith.constant 0 : i32
      %dma_start3A_48 = tpu.memref_slice %arg5[%mul3A_2, %dma_start3A_47] : memref<2048x1024xf32, #tpu.memory_space<hbm>> -> memref<32x1024xf32, #tpu.memory_space<hbm>>
      tpu.enqueue_dma source(%arg9 : memref<32x1024xf32, #tpu.memory_space<vmem>>) target(%dma_start3A_48 : memref<32x1024xf32, #tpu.memory_space<hbm>>) target_semaphore(%run_scoped3A : memref<!tpu.dma_semaphore, #tpu.memory_space<semaphore_mem>>)
      %dma_wait3A_49 = arith.constant 0 : i32
      %dma_wait3A_50 = tpu.memref_slice %arg5[%mul3A_2, %dma_wait3A_49] : memref<2048x1024xf32, #tpu.memory_space<hbm>> -> memref<32x1024xf32, #tpu.memory_space<hbm>>
      %dma_wait3A_51 = arith.constant 0 : i32
      %dma_wait3A_52 = tpu.memref_slice %arg5[%mul3A_2, %dma_wait3A_51] : memref<2048x1024xf32, #tpu.memory_space<hbm>> -> memref<32x1024xf32, #tpu.memory_space<hbm>>
      tpu.wait_dma2 semaphore(%run_scoped3A : memref<!tpu.dma_semaphore, #tpu.memory_space<semaphore_mem>>) src(%arg9 : memref<32x1024xf32, #tpu.memory_space<vmem>>) dst(%dma_wait3A_52 : memref<32x1024xf32, #tpu.memory_space<hbm>>)
      tpu.yield
    }) : () -> ()
    %dma_start3A_16 = arith.constant 0 : i32
    %dma_start3A_17 = tpu.memref_slice %arg8[%dma_start3A_16] : memref<64xi32, #tpu.memory_space<vmem>> -> memref<32xi32, #tpu.memory_space<vmem>>
    %dma_start3A_18 = arith.constant 0 : i32
    %dma_start3A_19 = arith.constant 0 : i32
    %dma_start3A_20 = tpu.memref_slice %arg2[%dma_start3A_18, %dma_start3A_19] : memref<8192x1024xf32, #tpu.memory_space<hbm>> -> memref<8192x1024xf32, #tpu.memory_space<hbm>>
    tpu.enqueue_indirect_dma source(%dma_start3A_20 : memref<8192x1024xf32, #tpu.memory_space<hbm>>) target(%arg9 : memref<32x1024xf32, #tpu.memory_space<vmem>>) offsets(%dma_start3A_17 : memref<32xi32, #tpu.memory_space<vmem>>) semaphore(%arg11 : memref<!tpu.dma_semaphore, #tpu.memory_space<semaphore_mem>>)
    %dma_wait3A_21 = arith.constant 32 : i32
    %dma_wait3A_22 = tpu.memref_slice %arg7[%dma_wait3A_21] : memref<64xi32, #tpu.memory_space<vmem>> -> memref<32xi32, #tpu.memory_space<vmem>>
    %dma_wait3A_23 = arith.constant 0 : i32
    %dma_wait3A_24 = arith.constant 0 : i32
    %dma_wait3A_25 = tpu.memref_slice %arg2[%dma_wait3A_23, %dma_wait3A_24] : memref<8192x1024xf32, #tpu.memory_space<hbm>> -> memref<8192x1024xf32, #tpu.memory_space<hbm>>
    tpu.wait_indirect_dma semaphore(%arg11 : memref<!tpu.dma_semaphore, #tpu.memory_space<semaphore_mem>>) src(%dma_wait3A_25 : memref<8192x1024xf32, #tpu.memory_space<hbm>>) dst(%arg10 : memref<32x1024xf32, #tpu.memory_space<vmem>>)
    %add3A_26 = arith.constant 32 : i32
    %add3A_27 = arith.addi %mul3A_2, %add3A_26 : i32
    "tpu.region"() ({
      %run_scoped3A = tpu.sem_alloc : memref<!tpu.dma_semaphore, #tpu.memory_space<semaphore_mem>>
      %dma_start3A_45 = arith.constant 0 : i32
      %dma_start3A_46 = tpu.memref_slice %arg5[%add3A_27, %dma_start3A_45] : memref<2048x1024xf32, #tpu.memory_space<hbm>> -> memref<32x1024xf32, #tpu.memory_space<hbm>>
      %dma_start3A_47 = arith.constant 0 : i32
      %dma_start3A_48 = tpu.memref_slice %arg5[%add3A_27, %dma_start3A_47] : memref<2048x1024xf32, #tpu.memory_space<hbm>> -> memref<32x1024xf32, #tpu.memory_space<hbm>>
      tpu.enqueue_dma source(%arg10 : memref<32x1024xf32, #tpu.memory_space<vmem>>) target(%dma_start3A_48 : memref<32x1024xf32, #tpu.memory_space<hbm>>) target_semaphore(%run_scoped3A : memref<!tpu.dma_semaphore, #tpu.memory_space<semaphore_mem>>)
      %dma_wait3A_49 = arith.constant 0 : i32
      %dma_wait3A_50 = tpu.memref_slice %arg5[%add3A_27, %dma_wait3A_49] : memref<2048x1024xf32, #tpu.memory_space<hbm>> -> memref<32x1024xf32, #tpu.memory_space<hbm>>
      %dma_wait3A_51 = arith.constant 0 : i32
      %dma_wait3A_52 = tpu.memref_slice %arg5[%add3A_27, %dma_wait3A_51] : memref<2048x1024xf32, #tpu.memory_space<hbm>> -> memref<32x1024xf32, #tpu.memory_space<hbm>>
      tpu.wait_dma2 semaphore(%run_scoped3A : memref<!tpu.dma_semaphore, #tpu.memory_space<semaphore_mem>>) src(%arg10 : memref<32x1024xf32, #tpu.memory_space<vmem>>) dst(%dma_wait3A_52 : memref<32x1024xf32, #tpu.memory_space<hbm>>)
      tpu.yield
    }) : () -> ()
    %dma_start3A_28 = arith.constant 32 : i32
    %dma_start3A_29 = tpu.memref_slice %arg8[%dma_start3A_28] : memref<64xi32, #tpu.memory_space<vmem>> -> memref<32xi32, #tpu.memory_space<vmem>>
    %dma_start3A_30 = arith.constant 0 : i32
    %dma_start3A_31 = arith.constant 0 : i32
    %dma_start3A_32 = tpu.memref_slice %arg2[%dma_start3A_30, %dma_start3A_31] : memref<8192x1024xf32, #tpu.memory_space<hbm>> -> memref<8192x1024xf32, #tpu.memory_space<hbm>>
    tpu.enqueue_indirect_dma source(%dma_start3A_32 : memref<8192x1024xf32, #tpu.memory_space<hbm>>) target(%arg10 : memref<32x1024xf32, #tpu.memory_space<vmem>>) offsets(%dma_start3A_29 : memref<32xi32, #tpu.memory_space<vmem>>) semaphore(%arg11 : memref<!tpu.dma_semaphore, #tpu.memory_space<semaphore_mem>>)
    %dma_wait3A_33 = arith.constant 0 : i32
    %dma_wait3A_34 = tpu.memref_slice %arg8[%dma_wait3A_33] : memref<64xi32, #tpu.memory_space<vmem>> -> memref<32xi32, #tpu.memory_space<vmem>>
    %dma_wait3A_35 = arith.constant 0 : i32
    %dma_wait3A_36 = arith.constant 0 : i32
    %dma_wait3A_37 = tpu.memref_slice %arg2[%dma_wait3A_35, %dma_wait3A_36] : memref<8192x1024xf32, #tpu.memory_space<hbm>> -> memref<8192x1024xf32, #tpu.memory_space<hbm>>
    tpu.wait_indirect_dma semaphore(%arg11 : memref<!tpu.dma_semaphore, #tpu.memory_space<semaphore_mem>>) src(%dma_wait3A_37 : memref<8192x1024xf32, #tpu.memory_space<hbm>>) dst(%arg9 : memref<32x1024xf32, #tpu.memory_space<vmem>>)
    "tpu.region"() ({
      %run_scoped3A = tpu.sem_alloc : memref<!tpu.dma_semaphore, #tpu.memory_space<semaphore_mem>>
      %dma_start3A_45 = arith.constant 0 : i32
      %dma_start3A_46 = tpu.memref_slice %arg6[%mul3A_2, %dma_start3A_45] : memref<2048x1024xf32, #tpu.memory_space<hbm>> -> memref<32x1024xf32, #tpu.memory_space<hbm>>
      %dma_start3A_47 = arith.constant 0 : i32
      %dma_start3A_48 = tpu.memref_slice %arg6[%mul3A_2, %dma_start3A_47] : memref<2048x1024xf32, #tpu.memory_space<hbm>> -> memref<32x1024xf32, #tpu.memory_space<hbm>>
      tpu.enqueue_dma source(%arg9 : memref<32x1024xf32, #tpu.memory_space<vmem>>) target(%dma_start3A_48 : memref<32x1024xf32, #tpu.memory_space<hbm>>) target_semaphore(%run_scoped3A : memref<!tpu.dma_semaphore, #tpu.memory_space<semaphore_mem>>)
      %dma_wait3A_49 = arith.constant 0 : i32
      %dma_wait3A_50 = tpu.memref_slice %arg6[%mul3A_2, %dma_wait3A_49] : memref<2048x1024xf32, #tpu.memory_space<hbm>> -> memref<32x1024xf32, #tpu.memory_space<hbm>>
      %dma_wait3A_51 = arith.constant 0 : i32
      %dma_wait3A_52 = tpu.memref_slice %arg6[%mul3A_2, %dma_wait3A_51] : memref<2048x1024xf32, #tpu.memory_space<hbm>> -> memref<32x1024xf32, #tpu.memory_space<hbm>>
      tpu.wait_dma2 semaphore(%run_scoped3A : memref<!tpu.dma_semaphore, #tpu.memory_space<semaphore_mem>>) src(%arg9 : memref<32x1024xf32, #tpu.memory_space<vmem>>) dst(%dma_wait3A_52 : memref<32x1024xf32, #tpu.memory_space<hbm>>)
      tpu.yield
    }) : () -> ()
    %dma_wait3A_38 = arith.constant 32 : i32
    %dma_wait3A_39 = tpu.memref_slice %arg8[%dma_wait3A_38] : memref<64xi32, #tpu.memory_space<vmem>> -> memref<32xi32, #tpu.memory_space<vmem>>
    %dma_wait3A_40 = arith.constant 0 : i32
    %dma_wait3A_41 = arith.constant 0 : i32
    %dma_wait3A_42 = tpu.memref_slice %arg2[%dma_wait3A_40, %dma_wait3A_41] : memref<8192x1024xf32, #tpu.memory_space<hbm>> -> memref<8192x1024xf32, #tpu.memory_space<hbm>>
    tpu.wait_indirect_dma semaphore(%arg11 : memref<!tpu.dma_semaphore, #tpu.memory_space<semaphore_mem>>) src(%dma_wait3A_42 : memref<8192x1024xf32, #tpu.memory_space<hbm>>) dst(%arg10 : memref<32x1024xf32, #tpu.memory_space<vmem>>)
    %add3A_43 = arith.constant 32 : i32
    %add3A_44 = arith.addi %mul3A_2, %add3A_43 : i32
    "tpu.region"() ({
      %run_scoped3A = tpu.sem_alloc : memref<!tpu.dma_semaphore, #tpu.memory_space<semaphore_mem>>
      %dma_start3A_45 = arith.constant 0 : i32
      %dma_start3A_46 = tpu.memref_slice %arg6[%add3A_44, %dma_start3A_45] : memref<2048x1024xf32, #tpu.memory_space<hbm>> -> memref<32x1024xf32, #tpu.memory_space<hbm>>
      %dma_start3A_47 = arith.constant 0 : i32
      %dma_start3A_48 = tpu.memref_slice %arg6[%add3A_44, %dma_start3A_47] : memref<2048x1024xf32, #tpu.memory_space<hbm>> -> memref<32x1024xf32, #tpu.memory_space<hbm>>
      tpu.enqueue_dma source(%arg10 : memref<32x1024xf32, #tpu.memory_space<vmem>>) target(%dma_start3A_48 : memref<32x1024xf32, #tpu.memory_space<hbm>>) target_semaphore(%run_scoped3A : memref<!tpu.dma_semaphore, #tpu.memory_space<semaphore_mem>>)
      %dma_wait3A_49 = arith.constant 0 : i32
      %dma_wait3A_50 = tpu.memref_slice %arg6[%add3A_44, %dma_wait3A_49] : memref<2048x1024xf32, #tpu.memory_space<hbm>> -> memref<32x1024xf32, #tpu.memory_space<hbm>>
      %dma_wait3A_51 = arith.constant 0 : i32
      %dma_wait3A_52 = tpu.memref_slice %arg6[%add3A_44, %dma_wait3A_51] : memref<2048x1024xf32, #tpu.memory_space<hbm>> -> memref<32x1024xf32, #tpu.memory_space<hbm>>
      tpu.wait_dma2 semaphore(%run_scoped3A : memref<!tpu.dma_semaphore, #tpu.memory_space<semaphore_mem>>) src(%arg10 : memref<32x1024xf32, #tpu.memory_space<vmem>>) dst(%dma_wait3A_52 : memref<32x1024xf32, #tpu.memory_space<hbm>>)
      tpu.yield
    }) : () -> ()
    return
  }
}

#map = affine_map<(d0, d1) -> (0, 0)>
#map1 = affine_map<(d0, d1) -> (0)>
module attributes {stable_mosaic.version = 14 : i64} {
  func.func @_sc_dispatch(%arg0: i32, %arg1: i32, %arg2: memref<2048x1024xf32, #tpu.memory_space<hbm>>, %arg3: memref<2048xi32, #tpu.memory_space<hbm>>, %arg4: memref<2048xi32, #tpu.memory_space<hbm>>, %arg5: memref<8192x1024xf32, #tpu.memory_space<hbm>>, %arg6: memref<64xi32, #tpu.memory_space<vmem>>, %arg7: memref<64xi32, #tpu.memory_space<vmem>>, %arg8: memref<64x1024xf32, #tpu.memory_space<vmem>>, %arg9: memref<!tpu.dma_semaphore, #tpu.memory_space<semaphore_mem>>) attributes {dimension_semantics = [#tpu.dimension_semantics<core_parallel>, #tpu.dimension_semantics<subcore_parallel>], iteration_bounds = array<i64: 2, 16>, scalar_prefetch = 0 : i64, scratch_operands = 4 : i64, tpu.core_type = #tpu.core_type<sc_vector_subcore>, window_params = [{transform_indices = #map}, {transform_indices = #map1}, {transform_indices = #map1}, {transform_indices = #map}]} {
    %mul3A = arith.constant 2 : i32
    %mul3A_0 = arith.muli %arg1, %mul3A : i32
    %add3A = arith.addi %mul3A_0, %arg0 : i32
    %mul3A_1 = arith.constant 64 : i32
    %mul3A_2 = arith.muli %add3A, %mul3A_1 : i32
    "tpu.region"() ({
      %run_scoped3A = tpu.sem_alloc : memref<!tpu.dma_semaphore, #tpu.memory_space<semaphore_mem>>
      %dma_start3A_13 = tpu.memref_slice %arg3[%mul3A_2] : memref<2048xi32, #tpu.memory_space<hbm>> -> memref<64xi32, #tpu.memory_space<hbm>>
      %dma_start3A_14 = tpu.memref_slice %arg3[%mul3A_2] : memref<2048xi32, #tpu.memory_space<hbm>> -> memref<64xi32, #tpu.memory_space<hbm>>
      tpu.enqueue_dma source(%dma_start3A_14 : memref<64xi32, #tpu.memory_space<hbm>>) target(%arg6 : memref<64xi32, #tpu.memory_space<vmem>>) target_semaphore(%run_scoped3A : memref<!tpu.dma_semaphore, #tpu.memory_space<semaphore_mem>>)
      %dma_wait3A_15 = tpu.memref_slice %arg3[%mul3A_2] : memref<2048xi32, #tpu.memory_space<hbm>> -> memref<64xi32, #tpu.memory_space<hbm>>
      %dma_wait3A_16 = tpu.memref_slice %arg3[%mul3A_2] : memref<2048xi32, #tpu.memory_space<hbm>> -> memref<64xi32, #tpu.memory_space<hbm>>
      tpu.wait_dma2 semaphore(%run_scoped3A : memref<!tpu.dma_semaphore, #tpu.memory_space<semaphore_mem>>) src(%dma_wait3A_16 : memref<64xi32, #tpu.memory_space<hbm>>) dst(%arg6 : memref<64xi32, #tpu.memory_space<vmem>>)
      tpu.yield
    }) : () -> ()
    "tpu.region"() ({
      %run_scoped3A = tpu.sem_alloc : memref<!tpu.dma_semaphore, #tpu.memory_space<semaphore_mem>>
      %dma_start3A_13 = tpu.memref_slice %arg4[%mul3A_2] : memref<2048xi32, #tpu.memory_space<hbm>> -> memref<64xi32, #tpu.memory_space<hbm>>
      %dma_start3A_14 = tpu.memref_slice %arg4[%mul3A_2] : memref<2048xi32, #tpu.memory_space<hbm>> -> memref<64xi32, #tpu.memory_space<hbm>>
      tpu.enqueue_dma source(%dma_start3A_14 : memref<64xi32, #tpu.memory_space<hbm>>) target(%arg7 : memref<64xi32, #tpu.memory_space<vmem>>) target_semaphore(%run_scoped3A : memref<!tpu.dma_semaphore, #tpu.memory_space<semaphore_mem>>)
      %dma_wait3A_15 = tpu.memref_slice %arg4[%mul3A_2] : memref<2048xi32, #tpu.memory_space<hbm>> -> memref<64xi32, #tpu.memory_space<hbm>>
      %dma_wait3A_16 = tpu.memref_slice %arg4[%mul3A_2] : memref<2048xi32, #tpu.memory_space<hbm>> -> memref<64xi32, #tpu.memory_space<hbm>>
      tpu.wait_dma2 semaphore(%run_scoped3A : memref<!tpu.dma_semaphore, #tpu.memory_space<semaphore_mem>>) src(%dma_wait3A_16 : memref<64xi32, #tpu.memory_space<hbm>>) dst(%arg7 : memref<64xi32, #tpu.memory_space<vmem>>)
      tpu.yield
    }) : () -> ()
    "tpu.region"() ({
      %run_scoped3A = tpu.sem_alloc : memref<!tpu.dma_semaphore, #tpu.memory_space<semaphore_mem>>
      %dma_start3A_13 = arith.constant 0 : i32
      %dma_start3A_14 = tpu.memref_slice %arg2[%mul3A_2, %dma_start3A_13] : memref<2048x1024xf32, #tpu.memory_space<hbm>> -> memref<64x1024xf32, #tpu.memory_space<hbm>>
      %dma_start3A_15 = arith.constant 0 : i32
      %dma_start3A_16 = tpu.memref_slice %arg2[%mul3A_2, %dma_start3A_15] : memref<2048x1024xf32, #tpu.memory_space<hbm>> -> memref<64x1024xf32, #tpu.memory_space<hbm>>
      tpu.enqueue_dma source(%dma_start3A_16 : memref<64x1024xf32, #tpu.memory_space<hbm>>) target(%arg8 : memref<64x1024xf32, #tpu.memory_space<vmem>>) target_semaphore(%run_scoped3A : memref<!tpu.dma_semaphore, #tpu.memory_space<semaphore_mem>>)
      %dma_wait3A_17 = arith.constant 0 : i32
      %dma_wait3A_18 = tpu.memref_slice %arg2[%mul3A_2, %dma_wait3A_17] : memref<2048x1024xf32, #tpu.memory_space<hbm>> -> memref<64x1024xf32, #tpu.memory_space<hbm>>
      %dma_wait3A_19 = arith.constant 0 : i32
      %dma_wait3A_20 = tpu.memref_slice %arg2[%mul3A_2, %dma_wait3A_19] : memref<2048x1024xf32, #tpu.memory_space<hbm>> -> memref<64x1024xf32, #tpu.memory_space<hbm>>
      tpu.wait_dma2 semaphore(%run_scoped3A : memref<!tpu.dma_semaphore, #tpu.memory_space<semaphore_mem>>) src(%dma_wait3A_20 : memref<64x1024xf32, #tpu.memory_space<hbm>>) dst(%arg8 : memref<64x1024xf32, #tpu.memory_space<vmem>>)
      tpu.yield
    }) : () -> ()
    %dma_start3A = arith.constant 0 : i32
    %dma_start3A_3 = arith.constant 0 : i32
    %dma_start3A_4 = tpu.memref_slice %arg5[%dma_start3A, %dma_start3A_3] : memref<8192x1024xf32, #tpu.memory_space<hbm>> -> memref<8192x1024xf32, #tpu.memory_space<hbm>>
    tpu.enqueue_indirect_dma source(%arg8 : memref<64x1024xf32, #tpu.memory_space<vmem>>) target(%dma_start3A_4 : memref<8192x1024xf32, #tpu.memory_space<hbm>>) offsets(%arg6 : memref<64xi32, #tpu.memory_space<vmem>>) semaphore(%arg9 : memref<!tpu.dma_semaphore, #tpu.memory_space<semaphore_mem>>)
    %dma_start3A_5 = arith.constant 0 : i32
    %dma_start3A_6 = arith.constant 0 : i32
    %dma_start3A_7 = tpu.memref_slice %arg5[%dma_start3A_5, %dma_start3A_6] : memref<8192x1024xf32, #tpu.memory_space<hbm>> -> memref<8192x1024xf32, #tpu.memory_space<hbm>>
    tpu.enqueue_indirect_dma source(%arg8 : memref<64x1024xf32, #tpu.memory_space<vmem>>) target(%dma_start3A_7 : memref<8192x1024xf32, #tpu.memory_space<hbm>>) offsets(%arg7 : memref<64xi32, #tpu.memory_space<vmem>>) semaphore(%arg9 : memref<!tpu.dma_semaphore, #tpu.memory_space<semaphore_mem>>)
    %dma_wait3A = arith.constant 0 : i32
    %dma_wait3A_8 = arith.constant 0 : i32
    %dma_wait3A_9 = tpu.memref_slice %arg5[%dma_wait3A, %dma_wait3A_8] : memref<8192x1024xf32, #tpu.memory_space<hbm>> -> memref<8192x1024xf32, #tpu.memory_space<hbm>>
    tpu.wait_indirect_dma semaphore(%arg9 : memref<!tpu.dma_semaphore, #tpu.memory_space<semaphore_mem>>) src(%arg8 : memref<64x1024xf32, #tpu.memory_space<vmem>>) dst(%dma_wait3A_9 : memref<8192x1024xf32, #tpu.memory_space<hbm>>)
    %dma_wait3A_10 = arith.constant 0 : i32
    %dma_wait3A_11 = arith.constant 0 : i32
    %dma_wait3A_12 = tpu.memref_slice %arg5[%dma_wait3A_10, %dma_wait3A_11] : memref<8192x1024xf32, #tpu.memory_space<hbm>> -> memref<8192x1024xf32, #tpu.memory_space<hbm>>
    tpu.wait_indirect_dma semaphore(%arg9 : memref<!tpu.dma_semaphore, #tpu.memory_space<semaphore_mem>>) src(%arg8 : memref<64x1024xf32, #tpu.memory_space<vmem>>) dst(%dma_wait3A_12 : memref<8192x1024xf32, #tpu.memory_space<hbm>>)
    return
  }
}

module attributes {stable_mosaic.version = 14 : i64} {
  func.func @_router_body(%arg0: memref<2048x1024xf32, #tpu.memory_space<vmem>>, %arg1: memref<1024x16xf32, #tpu.memory_space<vmem>>, %arg2: memref<2048x1xi32, #tpu.memory_space<vmem>>, %arg3: memref<2048x1xi32, #tpu.memory_space<vmem>>, %arg4: memref<2048x1xf32, #tpu.memory_space<vmem>>, %arg5: memref<2048x1xf32, #tpu.memory_space<vmem>>, %arg6: memref<128x1xi32, #tpu.memory_space<vmem>>, %arg7: memref<1x1xi32, #tpu.memory_space<vmem>>) attributes {dimension_semantics = [], scalar_prefetch = 0 : i64, scratch_operands = 0 : i64, tpu.core_type = #tpu.core_type<tc>} {
    %get3A = arith.constant 0 : index
    %get3A_0 = arith.constant 0 : index
    %get3A_1 = vector.load %arg0[%get3A, %get3A_0] : memref<2048x1024xf32, #tpu.memory_space<vmem>>, vector<2048x1024xf32>
    %get3A_2 = arith.constant 0 : index
    %get3A_3 = arith.constant 0 : index
    %get3A_4 = vector.load %arg1[%get3A_2, %get3A_3] : memref<1024x16xf32, #tpu.memory_space<vmem>>, vector<1024x16xf32>
    %dot_general3A = arith.constant dense<0.000000e+00> : vector<2048x16xf32>
    %dot_general3A_5 = tpu.matmul %get3A_1, %get3A_4, %dot_general3A {dimension_numbers = #tpu.dot_dimension_numbers<[1], [0], [0], [1], [0, 0, 1, 1], [], []>, transpose_lhs_hint = false} : vector<2048x1024xf32>, vector<1024x16xf32>, vector<2048x16xf32> -> vector<2048x16xf32>
    %iota3A = tpu.iota {dimensions = array<i32: 1>} : vector<2048x16xi32>
    %lt3A = arith.constant 8 : i32
    %lt3A_6 = vector.broadcast %lt3A : i32 to vector<2048x16xi32>
    %lt3A_7 = arith.cmpi slt, %iota3A, %lt3A_6 : vector<2048x16xi32>
    %jit3A = arith.constant -1.000000e+30 : f32
    %broadcast_in_dim3A = vector.broadcast %jit3A : f32 to vector<2048x16xf32>
    %select_n3A = arith.select %lt3A_7, %dot_general3A_5, %broadcast_in_dim3A : vector<2048x16xi1>, vector<2048x16xf32>
    %reduce_max3A = arith.constant dense<0xFF800000> : vector<2048xf32>
    %reduce_max3A_8 = vector.multi_reduction <maximumf>, %select_n3A, %reduce_max3A [1] : vector<2048x16xf32> to vector<2048xf32>
    %broadcast_in_dim3A_9 = vector.shape_cast %reduce_max3A_8 : vector<2048xf32> to vector<2048x1xf32>
    %sub3A = vector.broadcast %broadcast_in_dim3A_9 : vector<2048x1xf32> to vector<2048x16xf32>
    %sub3A_10 = arith.subf %select_n3A, %sub3A : vector<2048x16xf32>
    %exp3A = math.exp %sub3A_10 : vector<2048x16xf32>
    %jit3A_11 = arith.constant 0.000000e+00 : f32
    %broadcast_in_dim3A_12 = vector.broadcast %jit3A_11 : f32 to vector<2048x16xf32>
    %select_n3A_13 = arith.select %lt3A_7, %exp3A, %broadcast_in_dim3A_12 : vector<2048x16xi1>, vector<2048x16xf32>
    %reduce_sum3A = arith.constant dense<0.000000e+00> : vector<2048xf32>
    %reduce_sum3A_14 = vector.multi_reduction <add>, %select_n3A_13, %reduce_sum3A [1] : vector<2048x16xf32> to vector<2048xf32>
    %broadcast_in_dim3A_15 = vector.shape_cast %reduce_sum3A_14 : vector<2048xf32> to vector<2048x1xf32>
    %div3A = vector.broadcast %broadcast_in_dim3A_15 : vector<2048x1xf32> to vector<2048x16xf32>
    %div3A_16 = arith.divf %select_n3A_13, %div3A : vector<2048x16xf32>
    %reduce_max3A_17 = arith.constant dense<0xFF800000> : vector<2048xf32>
    %reduce_max3A_18 = vector.multi_reduction <maximumf>, %div3A_16, %reduce_max3A_17 [1] : vector<2048x16xf32> to vector<2048xf32>
    %broadcast_in_dim3A_19 = vector.shape_cast %reduce_max3A_18 : vector<2048xf32> to vector<2048x1xf32>
    %ge3A = vector.broadcast %broadcast_in_dim3A_19 : vector<2048x1xf32> to vector<2048x16xf32>
    %ge3A_20 = arith.cmpf oge, %div3A_16, %ge3A : vector<2048x16xf32>
    %jit3A_21 = arith.constant 99 : i32
    %broadcast_in_dim3A_22 = vector.broadcast %jit3A_21 : i32 to vector<2048x16xi32>
    %select_n3A_23 = arith.select %ge3A_20, %iota3A, %broadcast_in_dim3A_22 : vector<2048x16xi1>, vector<2048x16xi32>
    %reduce_min3A = arith.constant dense<2147483647> : vector<2048xi32>
    %reduce_min3A_24 = vector.multi_reduction <minsi>, %select_n3A_23, %reduce_min3A [1] : vector<2048x16xi32> to vector<2048xi32>
    %broadcast_in_dim3A_25 = vector.shape_cast %reduce_min3A_24 : vector<2048xi32> to vector<2048x1xi32>
    %eq3A = vector.broadcast %broadcast_in_dim3A_25 : vector<2048x1xi32> to vector<2048x16xi32>
    %eq3A_26 = arith.cmpi eq, %iota3A, %eq3A : vector<2048x16xi32>
    %not3A = arith.constant dense<true> : vector<2048x16xi1>
    %not3A_27 = arith.xori %lt3A_7, %not3A : vector<2048x16xi1>
    %or3A = arith.ori %eq3A_26, %not3A_27 : vector<2048x16xi1>
    %jit3A_28 = arith.constant -1.000000e+00 : f32
    %broadcast_in_dim3A_29 = vector.broadcast %jit3A_28 : f32 to vector<2048x16xf32>
    %select_n3A_30 = arith.select %or3A, %broadcast_in_dim3A_29, %div3A_16 : vector<2048x16xi1>, vector<2048x16xf32>
    %reduce_max3A_31 = arith.constant dense<0xFF800000> : vector<2048xf32>
    %reduce_max3A_32 = vector.multi_reduction <maximumf>, %select_n3A_30, %reduce_max3A_31 [1] : vector<2048x16xf32> to vector<2048xf32>
    %broadcast_in_dim3A_33 = vector.shape_cast %reduce_max3A_32 : vector<2048xf32> to vector<2048x1xf32>
    %ge3A_34 = vector.broadcast %broadcast_in_dim3A_33 : vector<2048x1xf32> to vector<2048x16xf32>
    %ge3A_35 = arith.cmpf oge, %select_n3A_30, %ge3A_34 : vector<2048x16xf32>
    %jit3A_36 = arith.constant 99 : i32
    %broadcast_in_dim3A_37 = vector.broadcast %jit3A_36 : i32 to vector<2048x16xi32>
    %select_n3A_38 = arith.select %ge3A_35, %iota3A, %broadcast_in_dim3A_37 : vector<2048x16xi1>, vector<2048x16xi32>
    %reduce_min3A_39 = arith.constant dense<2147483647> : vector<2048xi32>
    %reduce_min3A_40 = vector.multi_reduction <minsi>, %select_n3A_38, %reduce_min3A_39 [1] : vector<2048x16xi32> to vector<2048xi32>
    %broadcast_in_dim3A_41 = vector.shape_cast %reduce_min3A_40 : vector<2048xi32> to vector<2048x1xi32>
    %eq3A_42 = vector.broadcast %broadcast_in_dim3A_41 : vector<2048x1xi32> to vector<2048x16xi32>
    %eq3A_43 = arith.cmpi eq, %iota3A, %eq3A_42 : vector<2048x16xi32>
    %add3A = arith.addf %broadcast_in_dim3A_19, %broadcast_in_dim3A_33 : vector<2048x1xf32>
    %add3A_44 = arith.constant 9.99999997E-7 : f32
    %add3A_45 = vector.broadcast %add3A_44 : f32 to vector<2048x1xf32>
    %add3A_46 = arith.addf %add3A, %add3A_45 : vector<2048x1xf32>
    %div3A_47 = arith.divf %broadcast_in_dim3A_19, %add3A_46 : vector<2048x1xf32>
    %swap3A = arith.constant 0 : index
    %swap3A_48 = arith.constant 0 : index
    %swap3A_49 = vector.load %arg4[%swap3A, %swap3A_48] : memref<2048x1xf32, #tpu.memory_space<vmem>>, vector<2048x1xf32>
    tpu.vector_store %arg4[%swap3A, %swap3A_48], %div3A_47 {strides = array<i32>} : memref<2048x1xf32, #tpu.memory_space<vmem>>, vector<2048x1xf32>,
    %div3A_50 = arith.divf %broadcast_in_dim3A_33, %add3A_46 : vector<2048x1xf32>
    %swap3A_51 = arith.constant 0 : index
    %swap3A_52 = arith.constant 0 : index
    %swap3A_53 = vector.load %arg5[%swap3A_51, %swap3A_52] : memref<2048x1xf32, #tpu.memory_space<vmem>>, vector<2048x1xf32>
    tpu.vector_store %arg5[%swap3A_51, %swap3A_52], %div3A_50 {strides = array<i32>} : memref<2048x1xf32, #tpu.memory_space<vmem>>, vector<2048x1xf32>,
    %convert_element_type3A = arith.extui %eq3A_26 : vector<2048x16xi1> to vector<2048x16xi32>
    %convert_element_type3A_54 = arith.sitofp %convert_element_type3A : vector<2048x16xi32> to vector<2048x16xf32>
    %convert_element_type3A_55 = arith.extui %eq3A_43 : vector<2048x16xi1> to vector<2048x16xi32>
    %convert_element_type3A_56 = arith.sitofp %convert_element_type3A_55 : vector<2048x16xi32> to vector<2048x16xf32>
    %iota3A_57 = tpu.iota {dimensions = array<i32: 0>} : vector<256x256xi32>
    %iota3A_58 = tpu.iota {dimensions = array<i32: 1>} : vector<256x256xi32>
    %lt3A_59 = arith.cmpi slt, %iota3A_58, %iota3A_57 : vector<256x256xi32>
    %convert_element_type3A_60 = arith.extui %lt3A_59 : vector<256x256xi1> to vector<256x256xi32>
    %convert_element_type3A_61 = arith.sitofp %convert_element_type3A_60 : vector<256x256xi32> to vector<256x256xf32>
    %broadcast_in_dim3A_62 = arith.constant 0.000000e+00 : f32
    %broadcast_in_dim3A_63 = vector.broadcast %broadcast_in_dim3A_62 : f32 to vector<1x16xf32>
    %broadcast_in_dim3A_64 = arith.constant 0.000000e+00 : f32
    %broadcast_in_dim3A_65 = vector.broadcast %broadcast_in_dim3A_64 : f32 to vector<1x16xf32>
    %slice3A = vector.extract_strided_slice %convert_element_type3A_54 {offsets = [0, 0], sizes = [256, 16], strides = [1, 1]} : vector<2048x16xf32> to vector<256x16xf32>
    %slice3A_66 = vector.extract_strided_slice %convert_element_type3A_56 {offsets = [0, 0], sizes = [256, 16], strides = [1, 1]} : vector<2048x16xf32> to vector<256x16xf32>
    %dot_general3A_67 = arith.constant dense<0.000000e+00> : vector<256x16xf32>
    %dot_general3A_68 = tpu.matmul %convert_element_type3A_61, %slice3A, %dot_general3A_67 {dimension_numbers = #tpu.dot_dimension_numbers<[1], [0], [0], [1], [0, 0, 1, 1], [], []>, transpose_lhs_hint = false} : vector<256x256xf32>, vector<256x16xf32>, vector<256x16xf32> -> vector<256x16xf32>
    %add3A_69 = vector.broadcast %broadcast_in_dim3A_63 : vector<1x16xf32> to vector<256x16xf32>
    %add3A_70 = arith.addf %dot_general3A_68, %add3A_69 : vector<256x16xf32>
    %dot_general3A_71 = arith.constant dense<0.000000e+00> : vector<256x16xf32>
    %dot_general3A_72 = tpu.matmul %convert_element_type3A_61, %slice3A_66, %dot_general3A_71 {dimension_numbers = #tpu.dot_dimension_numbers<[1], [0], [0], [1], [0, 0, 1, 1], [], []>, transpose_lhs_hint = false} : vector<256x256xf32>, vector<256x16xf32>, vector<256x16xf32> -> vector<256x16xf32>
    %add3A_73 = vector.broadcast %broadcast_in_dim3A_65 : vector<1x16xf32> to vector<256x16xf32>
    %add3A_74 = arith.addf %dot_general3A_72, %add3A_73 : vector<256x16xf32>
    %mul3A = arith.mulf %add3A_70, %slice3A : vector<256x16xf32>
    %reduce_sum3A_75 = arith.constant dense<0.000000e+00> : vector<256xf32>
    %reduce_sum3A_76 = vector.multi_reduction <add>, %mul3A, %reduce_sum3A_75 [1] : vector<256x16xf32> to vector<256xf32>
    %broadcast_in_dim3A_77 = vector.shape_cast %reduce_sum3A_76 : vector<256xf32> to vector<256x1xf32>
    %mul3A_78 = arith.mulf %add3A_74, %slice3A_66 : vector<256x16xf32>
    %reduce_sum3A_79 = arith.constant dense<0.000000e+00> : vector<256xf32>
    %reduce_sum3A_80 = vector.multi_reduction <add>, %mul3A_78, %reduce_sum3A_79 [1] : vector<256x16xf32> to vector<256xf32>
    %broadcast_in_dim3A_81 = vector.shape_cast %reduce_sum3A_80 : vector<256xf32> to vector<256x1xf32>
    %reduce_sum3A_82 = arith.constant dense<0.000000e+00> : vector<16xf32>
    %reduce_sum3A_83 = vector.multi_reduction <add>, %slice3A, %reduce_sum3A_82 [0] : vector<256x16xf32> to vector<16xf32>
    %broadcast_in_dim3A_84 = vector.shape_cast %reduce_sum3A_83 : vector<16xf32> to vector<1x16xf32>
    %add3A_85 = arith.addf %broadcast_in_dim3A_63, %broadcast_in_dim3A_84 : vector<1x16xf32>
    %reduce_sum3A_86 = arith.constant dense<0.000000e+00> : vector<16xf32>
    %reduce_sum3A_87 = vector.multi_reduction <add>, %slice3A_66, %reduce_sum3A_86 [0] : vector<256x16xf32> to vector<16xf32>
    %broadcast_in_dim3A_88 = vector.shape_cast %reduce_sum3A_87 : vector<16xf32> to vector<1x16xf32>
    %add3A_89 = arith.addf %broadcast_in_dim3A_65, %broadcast_in_dim3A_88 : vector<1x16xf32>
    %slice3A_90 = vector.extract_strided_slice %convert_element_type3A_54 {offsets = [256, 0], sizes = [256, 16], strides = [1, 1]} : vector<2048x16xf32> to vector<256x16xf32>
    %slice3A_91 = vector.extract_strided_slice %convert_element_type3A_56 {offsets = [256, 0], sizes = [256, 16], strides = [1, 1]} : vector<2048x16xf32> to vector<256x16xf32>
    %dot_general3A_92 = arith.constant dense<0.000000e+00> : vector<256x16xf32>
    %dot_general3A_93 = tpu.matmul %convert_element_type3A_61, %slice3A_90, %dot_general3A_92 {dimension_numbers = #tpu.dot_dimension_numbers<[1], [0], [0], [1], [0, 0, 1, 1], [], []>, transpose_lhs_hint = false} : vector<256x256xf32>, vector<256x16xf32>, vector<256x16xf32> -> vector<256x16xf32>
    %add3A_94 = vector.broadcast %add3A_85 : vector<1x16xf32> to vector<256x16xf32>
    %add3A_95 = arith.addf %dot_general3A_93, %add3A_94 : vector<256x16xf32>
    %dot_general3A_96 = arith.constant dense<0.000000e+00> : vector<256x16xf32>
    %dot_general3A_97 = tpu.matmul %convert_element_type3A_61, %slice3A_91, %dot_general3A_96 {dimension_numbers = #tpu.dot_dimension_numbers<[1], [0], [0], [1], [0, 0, 1, 1], [], []>, transpose_lhs_hint = false} : vector<256x256xf32>, vector<256x16xf32>, vector<256x16xf32> -> vector<256x16xf32>
    %add3A_98 = vector.broadcast %add3A_89 : vector<1x16xf32> to vector<256x16xf32>
    %add3A_99 = arith.addf %dot_general3A_97, %add3A_98 : vector<256x16xf32>
    %mul3A_100 = arith.mulf %add3A_95, %slice3A_90 : vector<256x16xf32>
    %reduce_sum3A_101 = arith.constant dense<0.000000e+00> : vector<256xf32>
    %reduce_sum3A_102 = vector.multi_reduction <add>, %mul3A_100, %reduce_sum3A_101 [1] : vector<256x16xf32> to vector<256xf32>
    %broadcast_in_dim3A_103 = vector.shape_cast %reduce_sum3A_102 : vector<256xf32> to vector<256x1xf32>
    %mul3A_104 = arith.mulf %add3A_99, %slice3A_91 : vector<256x16xf32>
    %reduce_sum3A_105 = arith.constant dense<0.000000e+00> : vector<256xf32>
    %reduce_sum3A_106 = vector.multi_reduction <add>, %mul3A_104, %reduce_sum3A_105 [1] : vector<256x16xf32> to vector<256xf32>
    %broadcast_in_dim3A_107 = vector.shape_cast %reduce_sum3A_106 : vector<256xf32> to vector<256x1xf32>
    %reduce_sum3A_108 = arith.constant dense<0.000000e+00> : vector<16xf32>
    %reduce_sum3A_109 = vector.multi_reduction <add>, %slice3A_90, %reduce_sum3A_108 [0] : vector<256x16xf32> to vector<16xf32>
    %broadcast_in_dim3A_110 = vector.shape_cast %reduce_sum3A_109 : vector<16xf32> to vector<1x16xf32>
    %add3A_111 = arith.addf %add3A_85, %broadcast_in_dim3A_110 : vector<1x16xf32>
    %reduce_sum3A_112 = arith.constant dense<0.000000e+00> : vector<16xf32>
    %reduce_sum3A_113 = vector.multi_reduction <add>, %slice3A_91, %reduce_sum3A_112 [0] : vector<256x16xf32> to vector<16xf32>
    %broadcast_in_dim3A_114 = vector.shape_cast %reduce_sum3A_113 : vector<16xf32> to vector<1x16xf32>
    %add3A_115 = arith.addf %add3A_89, %broadcast_in_dim3A_114 : vector<1x16xf32>
    %slice3A_116 = vector.extract_strided_slice %convert_element_type3A_54 {offsets = [512, 0], sizes = [256, 16], strides = [1, 1]} : vector<2048x16xf32> to vector<256x16xf32>
    %slice3A_117 = vector.extract_strided_slice %convert_element_type3A_56 {offsets = [512, 0], sizes = [256, 16], strides = [1, 1]} : vector<2048x16xf32> to vector<256x16xf32>
    %dot_general3A_118 = arith.constant dense<0.000000e+00> : vector<256x16xf32>
    %dot_general3A_119 = tpu.matmul %convert_element_type3A_61, %slice3A_116, %dot_general3A_118 {dimension_numbers = #tpu.dot_dimension_numbers<[1], [0], [0], [1], [0, 0, 1, 1], [], []>, transpose_lhs_hint = false} : vector<256x256xf32>, vector<256x16xf32>, vector<256x16xf32> -> vector<256x16xf32>
    %add3A_120 = vector.broadcast %add3A_111 : vector<1x16xf32> to vector<256x16xf32>
    %add3A_121 = arith.addf %dot_general3A_119, %add3A_120 : vector<256x16xf32>
    %dot_general3A_122 = arith.constant dense<0.000000e+00> : vector<256x16xf32>
    %dot_general3A_123 = tpu.matmul %convert_element_type3A_61, %slice3A_117, %dot_general3A_122 {dimension_numbers = #tpu.dot_dimension_numbers<[1], [0], [0], [1], [0, 0, 1, 1], [], []>, transpose_lhs_hint = false} : vector<256x256xf32>, vector<256x16xf32>, vector<256x16xf32> -> vector<256x16xf32>
    %add3A_124 = vector.broadcast %add3A_115 : vector<1x16xf32> to vector<256x16xf32>
    %add3A_125 = arith.addf %dot_general3A_123, %add3A_124 : vector<256x16xf32>
    %mul3A_126 = arith.mulf %add3A_121, %slice3A_116 : vector<256x16xf32>
    %reduce_sum3A_127 = arith.constant dense<0.000000e+00> : vector<256xf32>
    %reduce_sum3A_128 = vector.multi_reduction <add>, %mul3A_126, %reduce_sum3A_127 [1] : vector<256x16xf32> to vector<256xf32>
    %broadcast_in_dim3A_129 = vector.shape_cast %reduce_sum3A_128 : vector<256xf32> to vector<256x1xf32>
    %mul3A_130 = arith.mulf %add3A_125, %slice3A_117 : vector<256x16xf32>
    %reduce_sum3A_131 = arith.constant dense<0.000000e+00> : vector<256xf32>
    %reduce_sum3A_132 = vector.multi_reduction <add>, %mul3A_130, %reduce_sum3A_131 [1] : vector<256x16xf32> to vector<256xf32>
    %broadcast_in_dim3A_133 = vector.shape_cast %reduce_sum3A_132 : vector<256xf32> to vector<256x1xf32>
    %reduce_sum3A_134 = arith.constant dense<0.000000e+00> : vector<16xf32>
    %reduce_sum3A_135 = vector.multi_reduction <add>, %slice3A_116, %reduce_sum3A_134 [0] : vector<256x16xf32> to vector<16xf32>
    %broadcast_in_dim3A_136 = vector.shape_cast %reduce_sum3A_135 : vector<16xf32> to vector<1x16xf32>
    %add3A_137 = arith.addf %add3A_111, %broadcast_in_dim3A_136 : vector<1x16xf32>
    %reduce_sum3A_138 = arith.constant dense<0.000000e+00> : vector<16xf32>
    %reduce_sum3A_139 = vector.multi_reduction <add>, %slice3A_117, %reduce_sum3A_138 [0] : vector<256x16xf32> to vector<16xf32>
    %broadcast_in_dim3A_140 = vector.shape_cast %reduce_sum3A_139 : vector<16xf32> to vector<1x16xf32>
    %add3A_141 = arith.addf %add3A_115, %broadcast_in_dim3A_140 : vector<1x16xf32>
    %slice3A_142 = vector.extract_strided_slice %convert_element_type3A_54 {offsets = [768, 0], sizes = [256, 16], strides = [1, 1]} : vector<2048x16xf32> to vector<256x16xf32>
    %slice3A_143 = vector.extract_strided_slice %convert_element_type3A_56 {offsets = [768, 0], sizes = [256, 16], strides = [1, 1]} : vector<2048x16xf32> to vector<256x16xf32>
    %dot_general3A_144 = arith.constant dense<0.000000e+00> : vector<256x16xf32>
    %dot_general3A_145 = tpu.matmul %convert_element_type3A_61, %slice3A_142, %dot_general3A_144 {dimension_numbers = #tpu.dot_dimension_numbers<[1], [0], [0], [1], [0, 0, 1, 1], [], []>, transpose_lhs_hint = false} : vector<256x256xf32>, vector<256x16xf32>, vector<256x16xf32> -> vector<256x16xf32>
    %add3A_146 = vector.broadcast %add3A_137 : vector<1x16xf32> to vector<256x16xf32>
    %add3A_147 = arith.addf %dot_general3A_145, %add3A_146 : vector<256x16xf32>
    %dot_general3A_148 = arith.constant dense<0.000000e+00> : vector<256x16xf32>
    %dot_general3A_149 = tpu.matmul %convert_element_type3A_61, %slice3A_143, %dot_general3A_148 {dimension_numbers = #tpu.dot_dimension_numbers<[1], [0], [0], [1], [0, 0, 1, 1], [], []>, transpose_lhs_hint = false} : vector<256x256xf32>, vector<256x16xf32>, vector<256x16xf32> -> vector<256x16xf32>
    %add3A_150 = vector.broadcast %add3A_141 : vector<1x16xf32> to vector<256x16xf32>
    %add3A_151 = arith.addf %dot_general3A_149, %add3A_150 : vector<256x16xf32>
    %mul3A_152 = arith.mulf %add3A_147, %slice3A_142 : vector<256x16xf32>
    %reduce_sum3A_153 = arith.constant dense<0.000000e+00> : vector<256xf32>
    %reduce_sum3A_154 = vector.multi_reduction <add>, %mul3A_152, %reduce_sum3A_153 [1] : vector<256x16xf32> to vector<256xf32>
    %broadcast_in_dim3A_155 = vector.shape_cast %reduce_sum3A_154 : vector<256xf32> to vector<256x1xf32>
    %mul3A_156 = arith.mulf %add3A_151, %slice3A_143 : vector<256x16xf32>
    %reduce_sum3A_157 = arith.constant dense<0.000000e+00> : vector<256xf32>
    %reduce_sum3A_158 = vector.multi_reduction <add>, %mul3A_156, %reduce_sum3A_157 [1] : vector<256x16xf32> to vector<256xf32>
    %broadcast_in_dim3A_159 = vector.shape_cast %reduce_sum3A_158 : vector<256xf32> to vector<256x1xf32>
    %reduce_sum3A_160 = arith.constant dense<0.000000e+00> : vector<16xf32>
    %reduce_sum3A_161 = vector.multi_reduction <add>, %slice3A_142, %reduce_sum3A_160 [0] : vector<256x16xf32> to vector<16xf32>
    %broadcast_in_dim3A_162 = vector.shape_cast %reduce_sum3A_161 : vector<16xf32> to vector<1x16xf32>
    %add3A_163 = arith.addf %add3A_137, %broadcast_in_dim3A_162 : vector<1x16xf32>
    %reduce_sum3A_164 = arith.constant dense<0.000000e+00> : vector<16xf32>
    %reduce_sum3A_165 = vector.multi_reduction <add>, %slice3A_143, %reduce_sum3A_164 [0] : vector<256x16xf32> to vector<16xf32>
    %broadcast_in_dim3A_166 = vector.shape_cast %reduce_sum3A_165 : vector<16xf32> to vector<1x16xf32>
    %add3A_167 = arith.addf %add3A_141, %broadcast_in_dim3A_166 : vector<1x16xf32>
    %slice3A_168 = vector.extract_strided_slice %convert_element_type3A_54 {offsets = [1024, 0], sizes = [256, 16], strides = [1, 1]} : vector<2048x16xf32> to vector<256x16xf32>
    %slice3A_169 = vector.extract_strided_slice %convert_element_type3A_56 {offsets = [1024, 0], sizes = [256, 16], strides = [1, 1]} : vector<2048x16xf32> to vector<256x16xf32>
    %dot_general3A_170 = arith.constant dense<0.000000e+00> : vector<256x16xf32>
    %dot_general3A_171 = tpu.matmul %convert_element_type3A_61, %slice3A_168, %dot_general3A_170 {dimension_numbers = #tpu.dot_dimension_numbers<[1], [0], [0], [1], [0, 0, 1, 1], [], []>, transpose_lhs_hint = false} : vector<256x256xf32>, vector<256x16xf32>, vector<256x16xf32> -> vector<256x16xf32>
    %add3A_172 = vector.broadcast %add3A_163 : vector<1x16xf32> to vector<256x16xf32>
    %add3A_173 = arith.addf %dot_general3A_171, %add3A_172 : vector<256x16xf32>
    %dot_general3A_174 = arith.constant dense<0.000000e+00> : vector<256x16xf32>
    %dot_general3A_175 = tpu.matmul %convert_element_type3A_61, %slice3A_169, %dot_general3A_174 {dimension_numbers = #tpu.dot_dimension_numbers<[1], [0], [0], [1], [0, 0, 1, 1], [], []>, transpose_lhs_hint = false} : vector<256x256xf32>, vector<256x16xf32>, vector<256x16xf32> -> vector<256x16xf32>
    %add3A_176 = vector.broadcast %add3A_167 : vector<1x16xf32> to vector<256x16xf32>
    %add3A_177 = arith.addf %dot_general3A_175, %add3A_176 : vector<256x16xf32>
    %mul3A_178 = arith.mulf %add3A_173, %slice3A_168 : vector<256x16xf32>
    %reduce_sum3A_179 = arith.constant dense<0.000000e+00> : vector<256xf32>
    %reduce_sum3A_180 = vector.multi_reduction <add>, %mul3A_178, %reduce_sum3A_179 [1] : vector<256x16xf32> to vector<256xf32>
    %broadcast_in_dim3A_181 = vector.shape_cast %reduce_sum3A_180 : vector<256xf32> to vector<256x1xf32>
    %mul3A_182 = arith.mulf %add3A_177, %slice3A_169 : vector<256x16xf32>
    %reduce_sum3A_183 = arith.constant dense<0.000000e+00> : vector<256xf32>
    %reduce_sum3A_184 = vector.multi_reduction <add>, %mul3A_182, %reduce_sum3A_183 [1] : vector<256x16xf32> to vector<256xf32>
    %broadcast_in_dim3A_185 = vector.shape_cast %reduce_sum3A_184 : vector<256xf32> to vector<256x1xf32>
    %reduce_sum3A_186 = arith.constant dense<0.000000e+00> : vector<16xf32>
    %reduce_sum3A_187 = vector.multi_reduction <add>, %slice3A_168, %reduce_sum3A_186 [0] : vector<256x16xf32> to vector<16xf32>
    %broadcast_in_dim3A_188 = vector.shape_cast %reduce_sum3A_187 : vector<16xf32> to vector<1x16xf32>
    %add3A_189 = arith.addf %add3A_163, %broadcast_in_dim3A_188 : vector<1x16xf32>
    %reduce_sum3A_190 = arith.constant dense<0.000000e+00> : vector<16xf32>
    %reduce_sum3A_191 = vector.multi_reduction <add>, %slice3A_169, %reduce_sum3A_190 [0] : vector<256x16xf32> to vector<16xf32>
    %broadcast_in_dim3A_192 = vector.shape_cast %reduce_sum3A_191 : vector<16xf32> to vector<1x16xf32>
    %add3A_193 = arith.addf %add3A_167, %broadcast_in_dim3A_192 : vector<1x16xf32>
    %slice3A_194 = vector.extract_strided_slice %convert_element_type3A_54 {offsets = [1280, 0], sizes = [256, 16], strides = [1, 1]} : vector<2048x16xf32> to vector<256x16xf32>
    %slice3A_195 = vector.extract_strided_slice %convert_element_type3A_56 {offsets = [1280, 0], sizes = [256, 16], strides = [1, 1]} : vector<2048x16xf32> to vector<256x16xf32>
    %dot_general3A_196 = arith.constant dense<0.000000e+00> : vector<256x16xf32>
    %dot_general3A_197 = tpu.matmul %convert_element_type3A_61, %slice3A_194, %dot_general3A_196 {dimension_numbers = #tpu.dot_dimension_numbers<[1], [0], [0], [1], [0, 0, 1, 1], [], []>, transpose_lhs_hint = false} : vector<256x256xf32>, vector<256x16xf32>, vector<256x16xf32> -> vector<256x16xf32>
    %add3A_198 = vector.broadcast %add3A_189 : vector<1x16xf32> to vector<256x16xf32>
    %add3A_199 = arith.addf %dot_general3A_197, %add3A_198 : vector<256x16xf32>
    %dot_general3A_200 = arith.constant dense<0.000000e+00> : vector<256x16xf32>
    %dot_general3A_201 = tpu.matmul %convert_element_type3A_61, %slice3A_195, %dot_general3A_200 {dimension_numbers = #tpu.dot_dimension_numbers<[1], [0], [0], [1], [0, 0, 1, 1], [], []>, transpose_lhs_hint = false} : vector<256x256xf32>, vector<256x16xf32>, vector<256x16xf32> -> vector<256x16xf32>
    %add3A_202 = vector.broadcast %add3A_193 : vector<1x16xf32> to vector<256x16xf32>
    %add3A_203 = arith.addf %dot_general3A_201, %add3A_202 : vector<256x16xf32>
    %mul3A_204 = arith.mulf %add3A_199, %slice3A_194 : vector<256x16xf32>
    %reduce_sum3A_205 = arith.constant dense<0.000000e+00> : vector<256xf32>
    %reduce_sum3A_206 = vector.multi_reduction <add>, %mul3A_204, %reduce_sum3A_205 [1] : vector<256x16xf32> to vector<256xf32>
    %broadcast_in_dim3A_207 = vector.shape_cast %reduce_sum3A_206 : vector<256xf32> to vector<256x1xf32>
    %mul3A_208 = arith.mulf %add3A_203, %slice3A_195 : vector<256x16xf32>
    %reduce_sum3A_209 = arith.constant dense<0.000000e+00> : vector<256xf32>
    %reduce_sum3A_210 = vector.multi_reduction <add>, %mul3A_208, %reduce_sum3A_209 [1] : vector<256x16xf32> to vector<256xf32>
    %broadcast_in_dim3A_211 = vector.shape_cast %reduce_sum3A_210 : vector<256xf32> to vector<256x1xf32>
    %reduce_sum3A_212 = arith.constant dense<0.000000e+00> : vector<16xf32>
    %reduce_sum3A_213 = vector.multi_reduction <add>, %slice3A_194, %reduce_sum3A_212 [0] : vector<256x16xf32> to vector<16xf32>
    %broadcast_in_dim3A_214 = vector.shape_cast %reduce_sum3A_213 : vector<16xf32> to vector<1x16xf32>
    %add3A_215 = arith.addf %add3A_189, %broadcast_in_dim3A_214 : vector<1x16xf32>
    %reduce_sum3A_216 = arith.constant dense<0.000000e+00> : vector<16xf32>
    %reduce_sum3A_217 = vector.multi_reduction <add>, %slice3A_195, %reduce_sum3A_216 [0] : vector<256x16xf32> to vector<16xf32>
    %broadcast_in_dim3A_218 = vector.shape_cast %reduce_sum3A_217 : vector<16xf32> to vector<1x16xf32>
    %add3A_219 = arith.addf %add3A_193, %broadcast_in_dim3A_218 : vector<1x16xf32>
    %slice3A_220 = vector.extract_strided_slice %convert_element_type3A_54 {offsets = [1536, 0], sizes = [256, 16], strides = [1, 1]} : vector<2048x16xf32> to vector<256x16xf32>
    %slice3A_221 = vector.extract_strided_slice %convert_element_type3A_56 {offsets = [1536, 0], sizes = [256, 16], strides = [1, 1]} : vector<2048x16xf32> to vector<256x16xf32>
    %dot_general3A_222 = arith.constant dense<0.000000e+00> : vector<256x16xf32>
    %dot_general3A_223 = tpu.matmul %convert_element_type3A_61, %slice3A_220, %dot_general3A_222 {dimension_numbers = #tpu.dot_dimension_numbers<[1], [0], [0], [1], [0, 0, 1, 1], [], []>, transpose_lhs_hint = false} : vector<256x256xf32>, vector<256x16xf32>, vector<256x16xf32> -> vector<256x16xf32>
    %add3A_224 = vector.broadcast %add3A_215 : vector<1x16xf32> to vector<256x16xf32>
    %add3A_225 = arith.addf %dot_general3A_223, %add3A_224 : vector<256x16xf32>
    %dot_general3A_226 = arith.constant dense<0.000000e+00> : vector<256x16xf32>
    %dot_general3A_227 = tpu.matmul %convert_element_type3A_61, %slice3A_221, %dot_general3A_226 {dimension_numbers = #tpu.dot_dimension_numbers<[1], [0], [0], [1], [0, 0, 1, 1], [], []>, transpose_lhs_hint = false} : vector<256x256xf32>, vector<256x16xf32>, vector<256x16xf32> -> vector<256x16xf32>
    %add3A_228 = vector.broadcast %add3A_219 : vector<1x16xf32> to vector<256x16xf32>
    %add3A_229 = arith.addf %dot_general3A_227, %add3A_228 : vector<256x16xf32>
    %mul3A_230 = arith.mulf %add3A_225, %slice3A_220 : vector<256x16xf32>
    %reduce_sum3A_231 = arith.constant dense<0.000000e+00> : vector<256xf32>
    %reduce_sum3A_232 = vector.multi_reduction <add>, %mul3A_230, %reduce_sum3A_231 [1] : vector<256x16xf32> to vector<256xf32>
    %broadcast_in_dim3A_233 = vector.shape_cast %reduce_sum3A_232 : vector<256xf32> to vector<256x1xf32>
    %mul3A_234 = arith.mulf %add3A_229, %slice3A_221 : vector<256x16xf32>
    %reduce_sum3A_235 = arith.constant dense<0.000000e+00> : vector<256xf32>
    %reduce_sum3A_236 = vector.multi_reduction <add>, %mul3A_234, %reduce_sum3A_235 [1] : vector<256x16xf32> to vector<256xf32>
    %broadcast_in_dim3A_237 = vector.shape_cast %reduce_sum3A_236 : vector<256xf32> to vector<256x1xf32>
    %reduce_sum3A_238 = arith.constant dense<0.000000e+00> : vector<16xf32>
    %reduce_sum3A_239 = vector.multi_reduction <add>, %slice3A_220, %reduce_sum3A_238 [0] : vector<256x16xf32> to vector<16xf32>
    %broadcast_in_dim3A_240 = vector.shape_cast %reduce_sum3A_239 : vector<16xf32> to vector<1x16xf32>
    %add3A_241 = arith.addf %add3A_215, %broadcast_in_dim3A_240 : vector<1x16xf32>
    %reduce_sum3A_242 = arith.constant dense<0.000000e+00> : vector<16xf32>
    %reduce_sum3A_243 = vector.multi_reduction <add>, %slice3A_221, %reduce_sum3A_242 [0] : vector<256x16xf32> to vector<16xf32>
    %broadcast_in_dim3A_244 = vector.shape_cast %reduce_sum3A_243 : vector<16xf32> to vector<1x16xf32>
    %add3A_245 = arith.addf %add3A_219, %broadcast_in_dim3A_244 : vector<1x16xf32>
    %slice3A_246 = vector.extract_strided_slice %convert_element_type3A_54 {offsets = [1792, 0], sizes = [256, 16], strides = [1, 1]} : vector<2048x16xf32> to vector<256x16xf32>
    %slice3A_247 = vector.extract_strided_slice %convert_element_type3A_56 {offsets = [1792, 0], sizes = [256, 16], strides = [1, 1]} : vector<2048x16xf32> to vector<256x16xf32>
    %dot_general3A_248 = arith.constant dense<0.000000e+00> : vector<256x16xf32>
    %dot_general3A_249 = tpu.matmul %convert_element_type3A_61, %slice3A_246, %dot_general3A_248 {dimension_numbers = #tpu.dot_dimension_numbers<[1], [0], [0], [1], [0, 0, 1, 1], [], []>, transpose_lhs_hint = false} : vector<256x256xf32>, vector<256x16xf32>, vector<256x16xf32> -> vector<256x16xf32>
    %add3A_250 = vector.broadcast %add3A_241 : vector<1x16xf32> to vector<256x16xf32>
    %add3A_251 = arith.addf %dot_general3A_249, %add3A_250 : vector<256x16xf32>
    %dot_general3A_252 = arith.constant dense<0.000000e+00> : vector<256x16xf32>
    %dot_general3A_253 = tpu.matmul %convert_element_type3A_61, %slice3A_247, %dot_general3A_252 {dimension_numbers = #tpu.dot_dimension_numbers<[1], [0], [0], [1], [0, 0, 1, 1], [], []>, transpose_lhs_hint = false} : vector<256x256xf32>, vector<256x16xf32>, vector<256x16xf32> -> vector<256x16xf32>
    %add3A_254 = vector.broadcast %add3A_245 : vector<1x16xf32> to vector<256x16xf32>
    %add3A_255 = arith.addf %dot_general3A_253, %add3A_254 : vector<256x16xf32>
    %mul3A_256 = arith.mulf %add3A_251, %slice3A_246 : vector<256x16xf32>
    %reduce_sum3A_257 = arith.constant dense<0.000000e+00> : vector<256xf32>
    %reduce_sum3A_258 = vector.multi_reduction <add>, %mul3A_256, %reduce_sum3A_257 [1] : vector<256x16xf32> to vector<256xf32>
    %broadcast_in_dim3A_259 = vector.shape_cast %reduce_sum3A_258 : vector<256xf32> to vector<256x1xf32>
    %mul3A_260 = arith.mulf %add3A_255, %slice3A_247 : vector<256x16xf32>
    %reduce_sum3A_261 = arith.constant dense<0.000000e+00> : vector<256xf32>
    %reduce_sum3A_262 = vector.multi_reduction <add>, %mul3A_260, %reduce_sum3A_261 [1] : vector<256x16xf32> to vector<256xf32>
    %broadcast_in_dim3A_263 = vector.shape_cast %reduce_sum3A_262 : vector<256xf32> to vector<256x1xf32>
    %reduce_sum3A_264 = arith.constant dense<0.000000e+00> : vector<16xf32>
    %reduce_sum3A_265 = vector.multi_reduction <add>, %slice3A_246, %reduce_sum3A_264 [0] : vector<256x16xf32> to vector<16xf32>
    %broadcast_in_dim3A_266 = vector.shape_cast %reduce_sum3A_265 : vector<16xf32> to vector<1x16xf32>
    %add3A_267 = arith.addf %add3A_241, %broadcast_in_dim3A_266 : vector<1x16xf32>
    %reduce_sum3A_268 = arith.constant dense<0.000000e+00> : vector<16xf32>
    %reduce_sum3A_269 = vector.multi_reduction <add>, %slice3A_247, %reduce_sum3A_268 [0] : vector<256x16xf32> to vector<16xf32>
    %broadcast_in_dim3A_270 = vector.shape_cast %reduce_sum3A_269 : vector<16xf32> to vector<1x16xf32>
    %add3A_271 = arith.addf %add3A_245, %broadcast_in_dim3A_270 : vector<1x16xf32>
    %add3A_272 = arith.addf %add3A_267, %add3A_271 : vector<1x16xf32>
    %div3A_273 = arith.constant 5.120000e+02 : f32
    %div3A_274 = vector.broadcast %div3A_273 : f32 to vector<1x16xf32>
    %div3A_275 = arith.divf %add3A_272, %div3A_274 : vector<1x16xf32>
    %ceil3A = math.ceil %div3A_275 : vector<1x16xf32>
    %mul3A_276 = arith.constant 5.120000e+02 : f32
    %mul3A_277 = vector.broadcast %mul3A_276 : f32 to vector<1x16xf32>
    %mul3A_278 = arith.mulf %ceil3A, %mul3A_277 : vector<1x16xf32>
    %iota3A_279 = tpu.iota {dimensions = array<i32: 0>} : vector<16x16xi32>
    %iota3A_280 = tpu.iota {dimensions = array<i32: 1>} : vector<16x16xi32>
    %lt3A_281 = arith.cmpi slt, %iota3A_279, %iota3A_280 : vector<16x16xi32>
    %convert_element_type3A_282 = arith.extui %lt3A_281 : vector<16x16xi1> to vector<16x16xi32>
    %convert_element_type3A_283 = arith.sitofp %convert_element_type3A_282 : vector<16x16xi32> to vector<16x16xf32>
    %dot_general3A_284 = arith.constant dense<0.000000e+00> : vector<1x16xf32>
    %dot_general3A_285 = tpu.matmul %mul3A_278, %convert_element_type3A_283, %dot_general3A_284 {dimension_numbers = #tpu.dot_dimension_numbers<[1], [0], [0], [1], [0, 0, 1, 1], [], []>, transpose_lhs_hint = false} : vector<1x16xf32>, vector<16x16xf32>, vector<1x16xf32> -> vector<1x16xf32>
    %concatenate3A = tpu.concatenate %broadcast_in_dim3A_77, %broadcast_in_dim3A_103, %broadcast_in_dim3A_129, %broadcast_in_dim3A_155, %broadcast_in_dim3A_181, %broadcast_in_dim3A_207, %broadcast_in_dim3A_233, %broadcast_in_dim3A_259 in 0 : vector<256x1xf32>, vector<256x1xf32>, vector<256x1xf32>, vector<256x1xf32>, vector<256x1xf32>, vector<256x1xf32>, vector<256x1xf32>, vector<256x1xf32> -> vector<2048x1xf32>
    %concatenate3A_286 = tpu.concatenate %broadcast_in_dim3A_81, %broadcast_in_dim3A_107, %broadcast_in_dim3A_133, %broadcast_in_dim3A_159, %broadcast_in_dim3A_185, %broadcast_in_dim3A_211, %broadcast_in_dim3A_237, %broadcast_in_dim3A_263 in 0 : vector<256x1xf32>, vector<256x1xf32>, vector<256x1xf32>, vector<256x1xf32>, vector<256x1xf32>, vector<256x1xf32>, vector<256x1xf32>, vector<256x1xf32> -> vector<2048x1xf32>
    %mul3A_287 = vector.broadcast %add3A_267 : vector<1x16xf32> to vector<2048x16xf32>
    %mul3A_288 = arith.mulf %mul3A_287, %convert_element_type3A_56 : vector<2048x16xf32>
    %reduce_sum3A_289 = arith.constant dense<0.000000e+00> : vector<2048xf32>
    %reduce_sum3A_290 = vector.multi_reduction <add>, %mul3A_288, %reduce_sum3A_289 [1] : vector<2048x16xf32> to vector<2048xf32>
    %broadcast_in_dim3A_291 = vector.shape_cast %reduce_sum3A_290 : vector<2048xf32> to vector<2048x1xf32>
    %add3A_292 = arith.addf %concatenate3A_286, %broadcast_in_dim3A_291 : vector<2048x1xf32>
    %mul3A_293 = vector.broadcast %dot_general3A_285 : vector<1x16xf32> to vector<2048x16xf32>
    %mul3A_294 = arith.mulf %mul3A_293, %convert_element_type3A_54 : vector<2048x16xf32>
    %reduce_sum3A_295 = arith.constant dense<0.000000e+00> : vector<2048xf32>
    %reduce_sum3A_296 = vector.multi_reduction <add>, %mul3A_294, %reduce_sum3A_295 [1] : vector<2048x16xf32> to vector<2048xf32>
    %broadcast_in_dim3A_297 = vector.shape_cast %reduce_sum3A_296 : vector<2048xf32> to vector<2048x1xf32>
    %mul3A_298 = vector.broadcast %dot_general3A_285 : vector<1x16xf32> to vector<2048x16xf32>
    %mul3A_299 = arith.mulf %mul3A_298, %convert_element_type3A_56 : vector<2048x16xf32>
    %reduce_sum3A_300 = arith.constant dense<0.000000e+00> : vector<2048xf32>
    %reduce_sum3A_301 = vector.multi_reduction <add>, %mul3A_299, %reduce_sum3A_300 [1] : vector<2048x16xf32> to vector<2048xf32>
    %broadcast_in_dim3A_302 = vector.shape_cast %reduce_sum3A_301 : vector<2048xf32> to vector<2048x1xf32>
    %add3A_303 = arith.addf %broadcast_in_dim3A_297, %concatenate3A : vector<2048x1xf32>
    %convert_element_type3A_304 = arith.fptosi %add3A_303 : vector<2048x1xf32> to vector<2048x1xi32>
    %swap3A_305 = arith.constant 0 : index
    %swap3A_306 = arith.constant 0 : index
    %swap3A_307 = vector.load %arg2[%swap3A_305, %swap3A_306] : memref<2048x1xi32, #tpu.memory_space<vmem>>, vector<2048x1xi32>
    tpu.vector_store %arg2[%swap3A_305, %swap3A_306], %convert_element_type3A_304 {strides = array<i32>} : memref<2048x1xi32, #tpu.memory_space<vmem>>, vector<2048x1xi32>,
    %add3A_308 = arith.addf %broadcast_in_dim3A_302, %add3A_292 : vector<2048x1xf32>
    %convert_element_type3A_309 = arith.fptosi %add3A_308 : vector<2048x1xf32> to vector<2048x1xi32>
    %swap3A_310 = arith.constant 0 : index
    %swap3A_311 = arith.constant 0 : index
    %swap3A_312 = vector.load %arg3[%swap3A_310, %swap3A_311] : memref<2048x1xi32, #tpu.memory_space<vmem>>, vector<2048x1xi32>
    tpu.vector_store %arg3[%swap3A_310, %swap3A_311], %convert_element_type3A_309 {strides = array<i32>} : memref<2048x1xi32, #tpu.memory_space<vmem>>, vector<2048x1xi32>,
    %div3A_313 = arith.constant 5.120000e+02 : f32
    %div3A_314 = vector.broadcast %div3A_313 : f32 to vector<1x16xf32>
    %div3A_315 = arith.divf %dot_general3A_285, %div3A_314 : vector<1x16xf32>
    %reduce_sum3A_316 = arith.constant dense<0.000000e+00> : vector<1xf32>
    %reduce_sum3A_317 = vector.multi_reduction <add>, %mul3A_278, %reduce_sum3A_316 [1] : vector<1x16xf32> to vector<1xf32>
    %broadcast_in_dim3A_318 = vector.shape_cast %reduce_sum3A_317 : vector<1xf32> to vector<1x1xf32>
    %div3A_319 = arith.constant 5.120000e+02 : f32
    %div3A_320 = vector.broadcast %div3A_319 : f32 to vector<1x1xf32>
    %div3A_321 = arith.divf %broadcast_in_dim3A_318, %div3A_320 : vector<1x1xf32>
    %iota3A_322 = tpu.iota {dimensions = array<i32: 0>} : vector<128x16xi32>
    %convert_element_type3A_323 = arith.sitofp %iota3A_322 : vector<128x16xi32> to vector<128x16xf32>
    %sub3A_324 = arith.constant 1.000000e+00 : f32
    %sub3A_325 = vector.broadcast %sub3A_324 : f32 to vector<1x1xf32>
    %sub3A_326 = arith.subf %div3A_321, %sub3A_325 : vector<1x1xf32>
    %min3A = vector.broadcast %sub3A_326 : vector<1x1xf32> to vector<128x16xf32>
    %min3A_327 = arith.minimumf %convert_element_type3A_323, %min3A : vector<128x16xf32>
    %le3A = vector.broadcast %div3A_315 : vector<1x16xf32> to vector<128x16xf32>
    %le3A_328 = arith.cmpf ole, %le3A, %min3A_327 : vector<128x16xf32>
    %convert_element_type3A_329 = arith.extui %le3A_328 : vector<128x16xi1> to vector<128x16xi32>
    %reduce_sum3A_330 = arith.constant dense<0> : vector<128xi32>
    %reduce_sum3A_331 = vector.multi_reduction <add>, %convert_element_type3A_329, %reduce_sum3A_330 [1] : vector<128x16xi32> to vector<128xi32>
    %broadcast_in_dim3A_332 = vector.shape_cast %reduce_sum3A_331 : vector<128xi32> to vector<128x1xi32>
    %sub3A_333 = arith.constant 1 : i32
    %sub3A_334 = vector.broadcast %sub3A_333 : i32 to vector<128x1xi32>
    %sub3A_335 = arith.subi %broadcast_in_dim3A_332, %sub3A_334 : vector<128x1xi32>
    %jit3A_336 = arith.constant 0 : i32
    %jit3A_337 = arith.constant 7 : i32
    %max3A = vector.broadcast %jit3A_336 : i32 to vector<128x1xi32>
    %max3A_338 = arith.maxsi %max3A, %sub3A_335 : vector<128x1xi32>
    %min3A_339 = vector.broadcast %jit3A_337 : i32 to vector<128x1xi32>
    %min3A_340 = arith.minsi %min3A_339, %max3A_338 : vector<128x1xi32>
    %swap3A_341 = arith.constant 0 : index
    %swap3A_342 = arith.constant 0 : index
    %swap3A_343 = vector.load %arg6[%swap3A_341, %swap3A_342] : memref<128x1xi32, #tpu.memory_space<vmem>>, vector<128x1xi32>
    tpu.vector_store %arg6[%swap3A_341, %swap3A_342], %min3A_340 {strides = array<i32>} : memref<128x1xi32, #tpu.memory_space<vmem>>, vector<128x1xi32>,
    %convert_element_type3A_344 = arith.fptosi %div3A_321 : vector<1x1xf32> to vector<1x1xi32>
    %swap3A_345 = arith.constant 0 : index
    %swap3A_346 = arith.constant 0 : index
    %swap3A_347 = vector.load %arg7[%swap3A_345, %swap3A_346] : memref<1x1xi32, #tpu.memory_space<vmem>>, vector<1x1xi32>
    tpu.vector_store %arg7[%swap3A_345, %swap3A_346], %convert_element_type3A_344 {strides = array<i32>} : memref<1x1xi32, #tpu.memory_space<vmem>>, vector<1x1xi32>,
    return
  }
}

module attributes {stable_mosaic.version = 14 : i64} {
  func.func @_mix_body(%arg0: i32, %arg1: memref<512x1024xf32, #tpu.memory_space<vmem>>, %arg2: memref<512x1024xf32, #tpu.memory_space<vmem>>, %arg3: memref<512x1xf32, #tpu.memory_space<vmem>>, %arg4: memref<512x1xf32, #tpu.memory_space<vmem>>, %arg5: memref<512x1024xf32, #tpu.memory_space<vmem>>) attributes {dimension_semantics = [#tpu.dimension_semantics<arbitrary>], iteration_bounds = array<i64: 4>, scalar_prefetch = 0 : i64, scratch_operands = 0 : i64, tpu.core_type = #tpu.core_type<tc>, window_params = [{transform_indices = @transform_0, window_bounds = array<i64: 512, 1024>}, {transform_indices = @transform_1, window_bounds = array<i64: 512, 1024>}, {transform_indices = @transform_2, window_bounds = array<i64: 512, 1>}, {transform_indices = @transform_3, window_bounds = array<i64: 512, 1>}, {transform_indices = @transform_4, window_bounds = array<i64: 512, 1024>}]} {
    %get3A = arith.constant 0 : index
    %get3A_0 = arith.constant 0 : index
    %get3A_1 = vector.load %arg3[%get3A, %get3A_0] : memref<512x1xf32, #tpu.memory_space<vmem>>, vector<512x1xf32>
    %get3A_2 = arith.constant 0 : index
    %get3A_3 = arith.constant 0 : index
    %get3A_4 = vector.load %arg1[%get3A_2, %get3A_3] : memref<512x1024xf32, #tpu.memory_space<vmem>>, vector<512x1024xf32>
    %mul3A = vector.broadcast %get3A_1 : vector<512x1xf32> to vector<512x1024xf32>
    %mul3A_5 = arith.mulf %mul3A, %get3A_4 : vector<512x1024xf32>
    %get3A_6 = arith.constant 0 : index
    %get3A_7 = arith.constant 0 : index
    %get3A_8 = vector.load %arg4[%get3A_6, %get3A_7] : memref<512x1xf32, #tpu.memory_space<vmem>>, vector<512x1xf32>
    %get3A_9 = arith.constant 0 : index
    %get3A_10 = arith.constant 0 : index
    %get3A_11 = vector.load %arg2[%get3A_9, %get3A_10] : memref<512x1024xf32, #tpu.memory_space<vmem>>, vector<512x1024xf32>
    %mul3A_12 = vector.broadcast %get3A_8 : vector<512x1xf32> to vector<512x1024xf32>
    %mul3A_13 = arith.mulf %mul3A_12, %get3A_11 : vector<512x1024xf32>
    %add3A = arith.addf %mul3A_5, %mul3A_13 : vector<512x1024xf32>
    %swap3A = arith.constant 0 : index
    %swap3A_14 = arith.constant 0 : index
    %swap3A_15 = vector.load %arg5[%swap3A, %swap3A_14] : memref<512x1024xf32, #tpu.memory_space<vmem>>, vector<512x1024xf32>
    tpu.vector_store %arg5[%swap3A, %swap3A_14], %add3A {strides = array<i32>} : memref<512x1024xf32, #tpu.memory_space<vmem>>, vector<512x1024xf32>,
    return
  }
  func.func @transform_0(%arg0: i32) -> (i32, i32) {
    %c0_i32 = arith.constant 0 : i32
    %c0_i32_0 = arith.constant 0 : i32
    return %arg0, %c0_i32 : i32, i32
  }
  func.func @transform_1(%arg0: i32) -> (i32, i32) {
    %c0_i32 = arith.constant 0 : i32
    %c0_i32_0 = arith.constant 0 : i32
    return %arg0, %c0_i32 : i32, i32
  }
  func.func @transform_2(%arg0: i32) -> (i32, i32) {
    %c0_i32 = arith.constant 0 : i32
    %c0_i32_0 = arith.constant 0 : i32
    return %arg0, %c0_i32 : i32, i32
  }
  func.func @transform_3(%arg0: i32) -> (i32, i32) {
    %c0_i32 = arith.constant 0 : i32
    %c0_i32_0 = arith.constant 0 : i32
    return %arg0, %c0_i32 : i32, i32
  }
  func.func @transform_4(%arg0: i32) -> (i32, i32) {
    %c0_i32 = arith.constant 0 : i32
    %c0_i32_0 = arith.constant 0 : i32
    return %arg0, %c0_i32 : i32, i32
  }
}

module attributes {stable_mosaic.version = 14 : i64} {
  func.func @_expert_body(%arg0: i32, %arg1: memref<128xi32, #tpu.memory_space<smem>>, %arg2: memref<1xi32, #tpu.memory_space<smem>>, %arg3: memref<512x1024xf32, #tpu.memory_space<vmem>>, %arg4: memref<1x1024x512xf32, #tpu.memory_space<vmem>>, %arg5: memref<1x1x512xf32, #tpu.memory_space<vmem>>, %arg6: memref<1x512x1024xf32, #tpu.memory_space<vmem>>, %arg7: memref<1x1x1024xf32, #tpu.memory_space<vmem>>, %arg8: memref<512x1024xf32, #tpu.memory_space<vmem>>) attributes {dimension_semantics = [#tpu.dimension_semantics<arbitrary>], iteration_bounds = array<i64: 16>, scalar_prefetch = 2 : i64, scratch_operands = 0 : i64, tpu.core_type = #tpu.core_type<tc>, window_params = [{transform_indices = @transform_0, window_bounds = array<i64: 512, 1024>}, {transform_indices = @transform_1, window_bounds = array<i64: 1, 1024, 512>}, {transform_indices = @transform_2, window_bounds = array<i64: 1, 1, 512>}, {transform_indices = @transform_3, window_bounds = array<i64: 1, 512, 1024>}, {transform_indices = @transform_4, window_bounds = array<i64: 1, 1, 1024>}, {transform_indices = @transform_5, window_bounds = array<i64: 512, 1024>}]} {
    %get3A = arith.constant 0 : index
    %get3A_0 = memref.load %arg2[%get3A] : memref<1xi32, #tpu.memory_space<smem>>
    %lt3A = arith.cmpi slt, %arg0, %get3A_0 : i32
    %convert_element_type3A = arith.extui %lt3A : i1 to i32
    %cond3A = arith.constant 0 : i32
    %cond3A_1 = arith.cmpi ne, %convert_element_type3A, %cond3A : i32
    scf.if %cond3A_1 {
      %get3A_2 = arith.constant 0 : index
      %get3A_3 = arith.constant 0 : index
      %get3A_4 = vector.load %arg3[%get3A_2, %get3A_3] : memref<512x1024xf32, #tpu.memory_space<vmem>>, vector<512x1024xf32>
      %get3A_5 = arith.constant 0 : index
      %get3A_6 = arith.constant 0 : index
      %get3A_7 = arith.constant 0 : index
      %get3A_8 = vector.load %arg4[%get3A_5, %get3A_6, %get3A_7] : memref<1x1024x512xf32, #tpu.memory_space<vmem>>, vector<1x1024x512xf32>
      %get3A_9 = vector.shape_cast %get3A_8 : vector<1x1024x512xf32> to vector<1024x512xf32>
      %dot_general3A = arith.constant dense<0.000000e+00> : vector<512x512xf32>
      %dot_general3A_10 = tpu.matmul %get3A_4, %get3A_9, %dot_general3A {dimension_numbers = #tpu.dot_dimension_numbers<[1], [0], [0], [1], [0, 0, 1, 1], [], []>, transpose_lhs_hint = false} : vector<512x1024xf32>, vector<1024x512xf32>, vector<512x512xf32> -> vector<512x512xf32>
      %get3A_11 = arith.constant 0 : index
      %get3A_12 = arith.constant 0 : index
      %get3A_13 = arith.constant 0 : index
      %get3A_14 = vector.load %arg5[%get3A_11, %get3A_12, %get3A_13] : memref<1x1x512xf32, #tpu.memory_space<vmem>>, vector<1x1x512xf32>
      %get3A_15 = vector.shape_cast %get3A_14 : vector<1x1x512xf32> to vector<1x512xf32>
      %add3A = vector.broadcast %get3A_15 : vector<1x512xf32> to vector<512x512xf32>
      %add3A_16 = arith.addf %dot_general3A_10, %add3A : vector<512x512xf32>
      %mul3A = arith.constant 5.000000e-01 : f32
      %mul3A_17 = vector.broadcast %mul3A : f32 to vector<512x512xf32>
      %mul3A_18 = arith.mulf %mul3A_17, %add3A_16 : vector<512x512xf32>
      %mul3A_19 = arith.constant 0.707106769 : f32
      %mul3A_20 = vector.broadcast %mul3A_19 : f32 to vector<512x512xf32>
      %mul3A_21 = arith.mulf %add3A_16, %mul3A_20 : vector<512x512xf32>
      %erf3A = math.erf %mul3A_21 : vector<512x512xf32>
      %add3A_22 = arith.constant 1.000000e+00 : f32
      %add3A_23 = vector.broadcast %add3A_22 : f32 to vector<512x512xf32>
      %add3A_24 = arith.addf %add3A_23, %erf3A : vector<512x512xf32>
      %mul3A_25 = arith.mulf %mul3A_18, %add3A_24 : vector<512x512xf32>
      %get3A_26 = arith.constant 0 : index
      %get3A_27 = arith.constant 0 : index
      %get3A_28 = arith.constant 0 : index
      %get3A_29 = vector.load %arg6[%get3A_26, %get3A_27, %get3A_28] : memref<1x512x1024xf32, #tpu.memory_space<vmem>>, vector<1x512x1024xf32>
      %get3A_30 = vector.shape_cast %get3A_29 : vector<1x512x1024xf32> to vector<512x1024xf32>
      %dot_general3A_31 = arith.constant dense<0.000000e+00> : vector<512x1024xf32>
      %dot_general3A_32 = tpu.matmul %mul3A_25, %get3A_30, %dot_general3A_31 {dimension_numbers = #tpu.dot_dimension_numbers<[1], [0], [0], [1], [0, 0, 1, 1], [], []>, transpose_lhs_hint = false} : vector<512x512xf32>, vector<512x1024xf32>, vector<512x1024xf32> -> vector<512x1024xf32>
      %get3A_33 = arith.constant 0 : index
      %get3A_34 = arith.constant 0 : index
      %get3A_35 = arith.constant 0 : index
      %get3A_36 = vector.load %arg7[%get3A_33, %get3A_34, %get3A_35] : memref<1x1x1024xf32, #tpu.memory_space<vmem>>, vector<1x1x1024xf32>
      %get3A_37 = vector.shape_cast %get3A_36 : vector<1x1x1024xf32> to vector<1x1024xf32>
      %add3A_38 = vector.broadcast %get3A_37 : vector<1x1024xf32> to vector<512x1024xf32>
      %add3A_39 = arith.addf %dot_general3A_32, %add3A_38 : vector<512x1024xf32>
      %swap3A = arith.constant 0 : index
      %swap3A_40 = arith.constant 0 : index
      %swap3A_41 = vector.load %arg8[%swap3A, %swap3A_40] : memref<512x1024xf32, #tpu.memory_space<vmem>>, vector<512x1024xf32>
      tpu.vector_store %arg8[%swap3A, %swap3A_40], %add3A_39 {strides = array<i32>} : memref<512x1024xf32, #tpu.memory_space<vmem>>, vector<512x1024xf32>,
    } else {
    }
    return
  }
  func.func @transform_0(%arg0: i32, %arg1: memref<128xi32, #tpu.memory_space<smem>>, %arg2: memref<1xi32, #tpu.memory_space<smem>>) -> (i32, i32) {
    %get3A = arith.constant 0 : index
    %get3A_0 = memref.load %arg2[%get3A] : memref<1xi32, #tpu.memory_space<smem>>
    %sub3A = arith.constant 1 : i32
    %sub3A_1 = arith.subi %get3A_0, %sub3A : i32
    %min3A = arith.minsi %arg0, %sub3A_1 : i32
    %c0_i32 = arith.constant 0 : i32
    %c0_i32_2 = arith.constant 0 : i32
    return %min3A, %c0_i32 : i32, i32
  }
  func.func @transform_1(%arg0: i32, %arg1: memref<128xi32, #tpu.memory_space<smem>>, %arg2: memref<1xi32, #tpu.memory_space<smem>>) -> (i32, i32, i32) {
    %get3A = arith.index_cast %arg0 : i32 to index
    %get3A_0 = memref.load %arg1[%get3A] : memref<128xi32, #tpu.memory_space<smem>>
    %c0_i32 = arith.constant 0 : i32
    %c0_i32_1 = arith.constant 0 : i32
    %c0_i32_2 = arith.constant 0 : i32
    return %get3A_0, %c0_i32, %c0_i32_1 : i32, i32, i32
  }
  func.func @transform_2(%arg0: i32, %arg1: memref<128xi32, #tpu.memory_space<smem>>, %arg2: memref<1xi32, #tpu.memory_space<smem>>) -> (i32, i32, i32) {
    %get3A = arith.index_cast %arg0 : i32 to index
    %get3A_0 = memref.load %arg1[%get3A] : memref<128xi32, #tpu.memory_space<smem>>
    %c0_i32 = arith.constant 0 : i32
    %c0_i32_1 = arith.constant 0 : i32
    %c0_i32_2 = arith.constant 0 : i32
    return %get3A_0, %c0_i32, %c0_i32_1 : i32, i32, i32
  }
  func.func @transform_3(%arg0: i32, %arg1: memref<128xi32, #tpu.memory_space<smem>>, %arg2: memref<1xi32, #tpu.memory_space<smem>>) -> (i32, i32, i32) {
    %get3A = arith.index_cast %arg0 : i32 to index
    %get3A_0 = memref.load %arg1[%get3A] : memref<128xi32, #tpu.memory_space<smem>>
    %c0_i32 = arith.constant 0 : i32
    %c0_i32_1 = arith.constant 0 : i32
    %c0_i32_2 = arith.constant 0 : i32
    return %get3A_0, %c0_i32, %c0_i32_1 : i32, i32, i32
  }
  func.func @transform_4(%arg0: i32, %arg1: memref<128xi32, #tpu.memory_space<smem>>, %arg2: memref<1xi32, #tpu.memory_space<smem>>) -> (i32, i32, i32) {
    %get3A = arith.index_cast %arg0 : i32 to index
    %get3A_0 = memref.load %arg1[%get3A] : memref<128xi32, #tpu.memory_space<smem>>
    %c0_i32 = arith.constant 0 : i32
    %c0_i32_1 = arith.constant 0 : i32
    %c0_i32_2 = arith.constant 0 : i32
    return %get3A_0, %c0_i32, %c0_i32_1 : i32, i32, i32
  }
  func.func @transform_5(%arg0: i32, %arg1: memref<128xi32, #tpu.memory_space<smem>>, %arg2: memref<1xi32, #tpu.memory_space<smem>>) -> (i32, i32) {
    %get3A = arith.constant 0 : index
    %get3A_0 = memref.load %arg2[%get3A] : memref<1xi32, #tpu.memory_space<smem>>
    %sub3A = arith.constant 1 : i32
    %sub3A_1 = arith.subi %get3A_0, %sub3A : i32
    %min3A = arith.minsi %arg0, %sub3A_1 : i32
    %c0_i32 = arith.constant 0 : i32
    %c0_i32_2 = arith.constant 0 : i32
    return %min3A, %c0_i32 : i32, i32
  }
}

</mosaic_0001>

<sc_bundles>
// kernel: kernel.10.cloned.1.call-start
scs
__scs_entry_jumppad:
0x0: {  	(pc) =	sbr.rel $0x88, $3  }
0x1: {  	(tag) =	ssettag $0x0;
	lr =	simm.s32 $0x1  }
0x2: {  	[smem:$0x3F9B] =	sst lr;
	_ =	strace $0xD0000000  }
0x3: {  	_ = 	snop  }
0x4: {  	_ = 	snop  }
0x5: {  	_ = 	snop  }
0x6: {  	_ = 	snop  }
0x7: {  	_ = 	snop  }
__scs_overlays_trampoline_lowered:
0x8: {  	[smem:$0x3FAA] =	sst s0  }
0x9: {  	[smem:$0x3FAB] =	sst s1  }
0xa: {  	[smem:$0x3FAC] =	sst s2  }
0xb: {  	[smem:$0x3FAD] =	sst s3  }
0xc: {  	[smem:$0x3FAE] =	sst s4  }
0xd: {  	[smem:$0x3FAF] =	sst s5  }
0xe: {  	[smem:$0x3FB0] =	sst s6  }
0xf: {  	[smem:$0x3FB1] =	sst s7  }
0x10: {  	[smem:$0x3FB2] =	sst s8  }
0x11: {  	[smem:$0x3FB3] =	sst s9;
	s0 =	simm.s32 @!p0 $0x0  }
0x12: {  	s1 =	sld [smem:$0x3F99];
	s0 =	simm.s32 @p0 $0x1  }
0x13: {  	[smem:$0x3FB4] =	sst s0;
	s0 =	simm.s32 @!p1 $0x0  }
0x14: {  	s2 =	sld [smem:$0x3F98];
	s0 =	simm.s32 @p1 $0x1  }
0x15: {  	[smem:$0x3FB5] =	sst s0;
	s0 =	simm.s32 @!p2 $0x0  }
0x16: {  	s3 =	sld [smem:$0x3FDB];
	s0 =	simm.s32 @p2 $0x1  }
0x17: {  	s4 =	simm.s32 $0x1BF5;
	[smem:$0x3FB7] =	sst s0  }
0x18: {  	s0 =	sld [smem:$0x3F9A];
	_ =	swait.ge [sflag:s4], $0x0  }
0x19: {  	s7 =	sld [smem:$0x3F9B]  }
0x1a: {  	s8 =	sadd.s32 $0xFFFFE003, lr  }
0x1b: {  	s9 =	sadd.s32 $0xFFFFFEF7, lr;
	s5 =	simm.s32 $0xFFFFFFFF;
	p2 =	slt.u32 s8, $0xFFFFF086  }
0x1c: {  	p1 =	slt.u32 s9, $0xF7A;
	s5 =	simm.s32 @!p2 $0x0  }
0x1d: {  	s5 =	simm.s32 @p1 $0x1;
	p0 =	seq.s32 s7, s2  }
0x1e: {  	s7 =	smul.u32 @!p0 $0xF7A, s2;
	p2 =	seq.s32 @!p0 s5, $0x0  }
0x1f: {  	s9 =	smul.u32 $0xF7A, s1;
	s8 =	simm.s32 @!p0 $0x1BF5;
	p2 =	por !p2, p0  }
0x20: {  	[sflag:s8] =	ssyncset.s32 @!p0 $0xFFFFF086;
	s6 =	sadd.s32 @!p0 s3, s7;
	s7 =	simm.s32 @!p0 $0x108  }
0x21: {  	s3 =	sadd.s32 s3, s9;
	s6 =	sadd.s32 @!p0 $0x88, s6;
	s7 =	simm.s32 @p2 $0x1082  }
0x22: {  	[simem:s7], [sflag:s8] =	dma.local @!p0 [hbm:s6], $0xF7A  }
0x23: {  	s9 =	sor.u32 $0xD0000000, s2;
	s6 =	simm.s32 $0x108;
	_ =	swait.ge @!p0 [sflag:s8], $0x0  }
0x24: {  	s3 =	sadd.s32 $0x88, s3;
	s6 =	simm.s32 @!p1 $0x1082;
	[sflag:s4] =	ssyncset.s32 $0xFFFFF086  }
0x25: {  	[simem:s6], [sflag:s4] =	dma.local [hbm:s3], $0xF7A  }
0x26: {  	[smem:$0x3F9B] =	sst s1;
	(tag) =	ssettag s2;
	_ =	strace s9  }
0x27: {  	s1 =	sld [smem:$0x3FAB]  }
0x28: {  	s2 =	sld [smem:$0x3FAC]  }
0x29: {  	s4 =	sld [smem:$0x3FAE]  }
0x2a: {  	p0 =	seq.s32 s5, $0x0;
	s5 =	sld [smem:$0x3FAF]  }
0x2b: {  	s6 =	sld [smem:$0x3FB0]  }
0x2c: {  	s7 =	sld [smem:$0x3FB1]  }
0x2d: {  	s3 =	simm.s32 $0x108;
	s8 =	sld [smem:$0x3FB2]  }
0x2e: {  	s3 =	simm.s32 @!p0 $0x1082;
	s9 =	sld [smem:$0x3FB3]  }
0x2f: {  	lr =	sadd.s32 s0, s3;
	s0 =	sld [smem:$0x3FAA]  }
0x30: {  	s3 =	sld [smem:$0x3FAD]  }
0x31: {  	[smem:$0x3FB6] =	sst s10  }
0x32: {  	s10 =	sld [smem:$0x3FB4];
	_ =	sdelay $0x3  }
0x33: {  	p0 =	seq.s32 s10, $0x1;
	s10 =	sld [smem:$0x3FB6];
	_ =	sdelay $0x3  }
0x34: {  	[smem:$0x3FB6] =	sst s10  }
0x35: {  	s10 =	sld [smem:$0x3FB5];
	_ =	sdelay $0x3  }
0x36: {  	p1 =	seq.s32 s10, $0x1;
	s10 =	sld [smem:$0x3FB6];
	_ =	sdelay $0x3  }
0x37: {  	[smem:$0x3FB6] =	sst s10  }
0x38: {  	s10 =	sld [smem:$0x3FB7]  }
0x39: {  	_ = 	snop;
	(pc) =	sbr.ind lr, $3  }
0x3a: {  	_ = 	snop  }
0x3b: {  	_ = 	snop  }
0x3c: {  	p2 =	seq.s32 s10, $0x1;
	s10 =	sld [smem:$0x3FB6]  }
0x3d: {  	_ =	shalt  }
0x3e: {  	_ =	shalt  }
0x3f: {  	_ =	shalt  }
0x40: {  	_ =	shalt  }
0x41: {  	_ =	shalt  }
0x42: {  	_ =	shalt  }
0x43: {  	_ =	shalt  }
0x44: {  	_ =	shalt  }
0x45: {  	_ =	shalt  }
0x46: {  	_ =	shalt  }
0x47: {  	_ =	shalt  }
0x48: {  	_ =	shalt  }
0x49: {  	_ =	shalt  }
0x4a: {  	_ =	shalt  }
0x4b: {  	_ =	shalt  }
0x4c: {  	_ =	shalt  }
0x4d: {  	_ =	shalt  }
0x4e: {  	_ =	shalt  }
0x4f: {  	_ =	shalt  }
0x50: {  	_ =	shalt  }
0x51: {  	_ =	shalt  }
0x52: {  	_ =	shalt  }
0x53: {  	_ =	shalt  }
0x54: {  	_ =	shalt  }
0x55: {  	_ =	shalt  }
0x56: {  	_ =	shalt  }
0x57: {  	_ =	shalt  }
0x58: {  	_ =	shalt  }
0x59: {  	_ =	shalt  }
0x5a: {  	_ =	shalt  }
0x5b: {  	_ =	shalt  }
0x5c: {  	_ =	shalt  }
0x5d: {  	_ =	shalt  }
0x5e: {  	_ =	shalt  }
0x5f: {  	_ =	shalt  }
0x60: {  	_ =	shalt  }
0x61: {  	_ =	shalt  }
0x62: {  	_ =	shalt  }
0x63: {  	_ =	shalt  }
0x64: {  	_ =	shalt  }
0x65: {  	_ =	shalt  }
0x66: {  	_ =	shalt  }
0x67: {  	_ =	shalt  }
0x68: {  	_ =	shalt  }
0x69: {  	_ =	shalt  }
0x6a: {  	_ =	shalt  }
0x6b: {  	_ =	shalt  }
0x6c: {  	_ =	shalt  }
0x6d: {  	_ =	shalt  }
0x6e: {  	_ =	shalt  }
0x6f: {  	_ =	shalt  }
0x70: {  	_ =	shalt  }
0x71: {  	_ =	shalt  }
0x72: {  	_ =	shalt  }
0x73: {  	_ =	shalt  }
0x74: {  	_ =	shalt  }
0x75: {  	_ =	shalt  }
0x76: {  	_ =	shalt  }
0x77: {  	_ =	shalt  }
0x78: {  	_ =	shalt  }
0x79: {  	_ =	shalt  }
0x7a: {  	_ =	shalt  }
0x7b: {  	_ =	shalt  }
0x7c: {  	_ =	shalt  }
0x7d: {  	_ =	shalt  }
0x7e: {  	_ =	shalt  }
0x7f: {  	_ =	shalt  }
0x80: {  	_ =	shalt  }
0x81: {  	_ =	shalt  }
0x82: {  	_ =	shalt  }
0x83: {  	_ =	shalt  }
0x84: {  	_ =	shalt  }
0x85: {  	_ =	shalt  }
0x86: {  	_ =	shalt  }
0x87: {  	_ =	shalt  }
.Lfunc_end0:
.L_simem_size_0:
called_computation.1_lowered:
.L_overlay_start_0:
0x88: {  	s2 =	sld [smem:$0x3FD9]  }
0x89: {  	s3 =	sld [smem:$0x3FFE];
	_ =	sdelay $0x1  }
0x8a: {  	s1 =	srdreg.scid  }
0x8b: {  	s0 =	sand.u32 $0x1, s1  }
0x8c: {  	s14 =	sshll.u32 s0, $0xA;
	s2 =	sadd.s32 s3, s2  }
0x8d: {  	s2 =	sadd.s32 s2, s14  }
0x8e: {  	[smem:$0x3FC2] =	sst s2  }
0x8f: {  	_ = 	snop  }
0x90: {  	s2 =	sld [smem:$0x3FD0];
	_ =	sdelay $0x2  }
0x91: {  	s15 =	simm.s32 $0xA;
	s4 =	simm.s32 $0x10  }
0x92: {  	[smem:s4], [sflag:s15] =	dma.local [hbm:s2], $0x1  }
0x93: {  	_ =	swait.eq [sflag:s15], $0x1  }
0x94: {  	[sflag:s15] =	ssyncset.done $0x0  }
0x95: {  	[sflag:s15] =	ssyncadd.s32 $0xFFFFFFFF  }
0x96: {  	s16 =	sld [smem:$0x10];
	(tm) =	ssettm $0x1  }
0x97: {  	s17 =	sld [smem:$0x3FFB];
	_ =	sdelay $0x3  }
0x98: {  	_ =	strace s17  }
0x99: {  	s3 =	sld [smem:$0x3FFC];
	_ =	sdelay $0x3  }
0x9a: {  	_ =	strace s3  }
0x9b: {  	s3 =	sld [smem:$0x3FFD];
	_ =	sdelay $0x3  }
0x9c: {  	_ =	strace s3  }
0x9d: {  	_ =	strace $0x8FFFFFFF  }
0x9e: {  	s18 =	sld [smem:$0x3FDB];
	_ =	sdelay $0x1  }
0x9f: {  	s19 =	simm.s32 $_scs_section_size  }
0xa0: {  	s5 =	simm.s32 $_size__tile_overlayer_lowered;
	s6 =	simm.s32 $_tile_overlayer_lowered  }
0xa1: {  	s22 =	simm.s32 $0x1BFF;
	s21 =	sshll.u32 s6, $0x1;
	s3 =	sadd.s32 s19, s18  }
0xa2: {  	s7 =	simm.s32 $0x0;
	s20 =	sshll.u32 s5, $0x1;
	s5 =	sadd.s32 s21, s3  }
0xa3: {  	[timem:s7], [sflag:s22] =	dma.local [hbm:s5], s20  }
0xa4: {  	_ =	swait.ge [sflag:s22], s20  }
0xa5: {  	s4 =	ssub.s32 $0x0, s20;
	[sflag:s22] =	ssyncset.done $0x0  }
0xa6: {  	[sflag:s22] =	ssyncadd.s32 s4;
	_ =	sdelay $0x1  }
0xa7: {  	s23 =	simm.s32 $0x1B8B  }
0xa8: {  	_ =	swait.ge [sflag:s23], $0x1  }
0xa9: {  	[sflag:s23] =	ssyncset.done $0x0  }
0xaa: {  	s25 =	simm.s32 $0x1B8E;
	s24 =	sld [smem:$0x3FFE];
	[sflag:s23] =	ssyncadd.s32 $0xFFFFFFFF  }
0xab: {  	s26 =	simm.s32 $execute0_lowered;
	[smem:$0x3FD2] =	sst s25  }
0xac: {  	s5 =	sshll.u32 s26, $0x1;
	_ =	strace $0x80000049;
	[dreg:$0x1] =	wrdreg $0xFFFFFFFF  }
0xad: {  	s28 =	simm.s32 $_size_execute0_lowered;
	s3 =	sadd.s32 s3, s5;
	[dreg:$0x0] =	wrdreg $0x0  }
0xae: {  	s5 =	sshll.u32 s28, $0x1;
	[dreg:$0x2] =	wrdreg s3  }
0xaf: {  	[dreg:$0x3] =	wrdreg s5  }
0xb0: {  	[dreg:$0x4] =	wrdreg $0xC0  }
0xb1: {  	_ =	task [dreg:s7], $0x5FFFF  }
0xb2: {  	[dreg:$0x1] =	wrdreg $0xFFFFFFFF  }
0xb3: {  	[dreg:$0x0] =	wrdreg $0x60  }
0xb4: {  	[dreg:$0x2] =	wrdreg s24  }
0xb5: {  	[dreg:$0x3] =	wrdreg s16  }
0xb6: {  	[dreg:$0x4] =	wrdreg $0x9  }
0xb7: {  	_ =	task.clear_ibuf [dreg:s7], $0x5FFFF;
	_ =	strace $0x90000049  }
0xb8: {  	s29 =	simm.s32 $0x9;
	_ =	strace $0x8000004B  }
0xb9: {  	_ =	swait.ge [sflag:s29], $0x1  }
0xba: {  	[sflag:s29] =	ssyncadd.s32 $0xFFFFFFFF  }
0xbb: {  	_ =	strace $0x9000004B  }
0xbc: {  	_ =	sfence  }
0xbd: {  	s30 =	sld [smem:$0x0];
	_ =	sdelay $0x2  }
0xbe: {  	s31 =	sshll.u32 s1, $0xD;
	s1 =	sshrl.u32 s1, $0x2  }
0xbf: {  	s3 =	sand.u32 $0x4000, s31;
	s1 =	sadd.s32 s1, s30  }
0xc0: {  	s0 =	sor.u32 s3, s0;
	s1 =	sshll.u32 s1, $0x11  }
0xc1: {  	s0 =	sor.u32 s1, s0  }
0xc2: {  	s0 =	sadd.s32 $0x8F2B, s0  }
0xc3: {  	[sflag:s0] =	ssyncadd.remote.s32 $0x1  }
0xc4: {  	_ =	sfence.sel $0xFFFF  }
0xc5: {  	[dreg:$0x0] =	wrdreg $0xFFFFFFFF;
	(pc) =	sbr.abs _section_cstart, $3  }
0xc6: {  	[dreg:$0x1] =	wrdreg $0xFFFFFFFF  }
0xc7: {  	_ =	task.clear_ibuf [dreg:s7], $0x2FFFF;
	_ =	strace $0x9FFFFFFF  }
0xc8: {  	(tm) =	ssettm $0x7FFFFFFF  }
0xc9: {  	_ =	shalt  }
tec
execute0_lowered:
.L_overlay_start_1:
0x0: {  	(tag) =	ssettag $0x1  }
0x1: {  	s0 =	rddreg [dreg:$0x0]  }
0x2: {  	s1 =	rddreg [dreg:$0x1];
	s2 =	srdreg.scid  }
0x3: {  	s3 =	stileid.u32;
	s26 =	simm.s32 $0x80;
	s18 =	simm.s32 $0x1  }
0x4: {  	s21 =	simm.s32 $0x1100;
	s28 =	simm.s32 $0x3900;
	s29 =	simm.s32 $0x4100  }
0x5: {  	s30 =	simm.s32 $0x4900;
	s31 =	simm.s32 $0x5100;
	s10 =	simm.s32 $0x6900  }
0x6: {  	s11 =	simm.s32 $0x7100;
	s12 =	simm.s32 $0x7900;
	s13 =	simm.s32 $0x8900  }
0x7: {  	s14 =	simm.s32 $0x9100;
	s15 =	simm.s32 $0x9900;
	s16 =	simm.s32 $0xA100  }
0x8: {  	s17 =	simm.s32 $0xA900;
	s4 =	sand.u32 $0x1, s2;
	s2 =	simm.s32 $0x0  }
0x9: {  	s3 =	sshll.u32 s3, $0x7;
	s7 =	sadd.s32 $0x1C00, s0;
	s5 =	sshll.u32 s4, $0x6  }
0xa: {  	[smem:$0x7FF] =	sst s2;
	s4 =	ssub.s32 $0x2, s4;
	s5 =	sor.u32 s5, s3  }
0xb: {  	_ =	strace $0x8000004A;
	s3 =	sadd.s32 $0x101C00, s0;
	s8 =	sshrl.u32 s4, $0x1  }
0xc: {  	[dreg:$0x9] =	wrdreg s26;
	s26 =	simm.s32 $0x3100;
	s6 =	sshrl.u32 s5, $0x3  }
0xd: {  	s5 =	sshll.u32 s5, $0x7;
	s8 =	ssub.s32 s4, s8;
	s4 =	sadd.s32 $0x101D00, s0  }
0xe: {  	s6 =	sadd.s32 s6, s0;
	s22 =	sadd.s32 s1, s5;
	s23 =	sor.u32 $0x1000, s5  }
0xf: {  	s24 =	sadd.s32 s7, s5;
	s5 =	sadd.s32 $0x101E00, s0;
	[dreg:$0x5] =	wrdreg s22  }
0x10: {  	s9 =	sadd.s32 $0x1800, s6;
	s6 =	sadd.s32 $0x1A00, s6;
	[dreg:$0x7] =	wrdreg s24  }
0x11: {  	s1 =	sadd.s32 s1, s23;
	s25 =	sadd.s32 s7, s23;
	[dreg:$0x3] =	wrdreg s9  }
0x12: {  	s7 =	smax.u32 s8, $0x1;
	s8 =	simm.s32 $0x2;
	[dreg:$0x4] =	wrdreg s6  }
0x13: {  	v2 =	vlaneseq.u32;
	s22 =	simm.s32 $0x1900;
	s23 =	simm.s32 $0x2100;
	[dreg:$0x6] =	wrdreg s1  }
0x14: {  	vm0 =	vmmov $0xffff;
	v1 =	vshrl.u32 v2, $0x3;
	s24 =	simm.s32 $0x2900;
	s6 =	sadd.s32 $0x101F00, s0;
	[dreg:$0x8] =	wrdreg s25  }
0x15: {  	v0 =	vand.u32 $0x7, v2;
	v2 =	vor.u32 $0x8, v2;
	v1 =	vmul.u32 $0x8, v1;
	s25 =	simm.s32 $0x100;
	s9 =	simm.s32 $0x5900;
	s0 =	simm.s32 $0x8100  }
.LBB2_1:
0x16: {  	s19 =	rddreg [dreg:$0x3]  }
0x17: {  	[tilespmem:s2], [sflag:$0x2] =	stream.linear.gather [hbm4b:s19+s2], $0x40, $0x38;
	[tilespmem:$0x10100] =	vst v63  }
0x18: {  	_ =	swait.ge [sflag:s8], $0x40  }
0x19: {  	s1 =	rddreg [dreg:$0x4];
	[sflag:s8] =	ssyncset.done $0x0  }
0x1a: {  	s20 =	rddreg [dreg:$0x9];
	[sflag:s8] =	ssyncadd.s32 $0xFFFFFFC0  }
0x1b: {  	[tilespmem:s20], [sflag:$0x2] =	stream.linear.gather [hbm4b:s1+s2], $0x40, $0x38;
	[tilespmem:$0x10100] =	vst v63  }
0x1c: {  	_ =	swait.ge [sflag:s8], $0x40  }
0x1d: {  	[sflag:s8] =	ssyncset.done $0x0  }
0x1e: {  	[sflag:s8] =	ssyncadd.s32 $0xFFFFFFC0  }
0x1f: {  	v3 =	vld [tilespmem:$0x0];
	_ =	sdelay $0x4  }
0x20: {  	v4 =	vshll.u32 v3, $0x3  }
0x21: {  	v3 =	vand.u32 $0x7, v3;
	v4 =	vand.u32 $0xFFFFFFC0, v4  }
0x22: {  	v3 =	vor.u32 v3, v4  }
0x23: {  	v4 =	vperm.xlane v3, v0;
	_ =	sdelay $0x1  }
0x24: {  	v4 =	vadd.s32 v1, v4;
	_ =	sdelay $0x4  }
0x25: {  	[tilespmem:s25], [sflag:$0x1] =	stream.indirect_vreg.gather [hbm4b:s3+s2], $0x80, v4, vm0, $0xb8;
	[tilespmem:$0x10100] =	vst v63  }
0x26: {  	s20 =	simm.s32 $0x900;
	v3 =	vperm.xlane v3, v2  }
0x27: {  	[tilespmem:s20], [sflag:$0x1] =	stream.indirect_vreg.gather [hbm4b:s4+s2], $0x80, v4, vm0, $0xb8;
	[tilespmem:$0x10100] =	vst v63  }
0x28: {  	v3 =	vadd.s32 v1, v3  }
0x29: {  	[tilespmem:s21], [sflag:$0x1] =	stream.indirect_vreg.gather [hbm4b:s5+s2], $0x80, v4, vm0, $0xb8;
	[tilespmem:$0x10100] =	vst v63  }
0x2a: {  	_ = 	snop  }
0x2b: {  	[tilespmem:s22], [sflag:$0x1] =	stream.indirect_vreg.gather [hbm4b:s6+s2], $0x80, v4, vm0, $0xb8;
	[tilespmem:$0x10100] =	vst v63  }
0x2c: {  	_ = 	snop  }
0x2d: {  	[tilespmem:s23], [sflag:$0x1] =	stream.indirect_vreg.gather [hbm4b:s3+s2], $0x80, v3, vm0, $0xb8;
	[tilespmem:$0x10100] =	vst v63  }
0x2e: {  	_ = 	snop  }
0x2f: {  	[tilespmem:s24], [sflag:$0x1] =	stream.indirect_vreg.gather [hbm4b:s4+s2], $0x80, v3, vm0, $0xb8;
	[tilespmem:$0x10100] =	vst v63  }
0x30: {  	_ = 	snop  }
0x31: {  	[tilespmem:s26], [sflag:$0x1] =	stream.indirect_vreg.gather [hbm4b:s5+s2], $0x80, v3, vm0, $0xb8;
	[tilespmem:$0x10100] =	vst v63  }
0x32: {  	_ = 	snop  }
0x33: {  	[tilespmem:s28], [sflag:$0x1] =	stream.indirect_vreg.gather [hbm4b:s6+s2], $0x80, v3, vm0, $0xb8;
	[tilespmem:$0x10100] =	vst v63  }
0x34: {  	v3 =	vld [tilespmem:$0x10];
	_ =	sdelay $0x4  }
0x35: {  	v57 =	vshll.u32 v3, $0x3  }
0x36: {  	v3 =	vand.u32 $0x7, v3;
	v4 =	vand.u32 $0xFFFFFFC0, v57  }
0x37: {  	v3 =	vor.u32 v3, v4  }
0x38: {  	v4 =	vperm.xlane v3, v0;
	_ =	sdelay $0x1  }
0x39: {  	v4 =	vadd.s32 v1, v4;
	_ =	sdelay $0x4  }
0x3a: {  	[tilespmem:s29], [sflag:$0x1] =	stream.indirect_vreg.gather [hbm4b:s3+s2], $0x80, v4, vm0, $0xb8;
	[tilespmem:$0x10100] =	vst v63  }
0x3b: {  	v3 =	vperm.xlane v3, v2  }
0x3c: {  	[tilespmem:s30], [sflag:$0x1] =	stream.indirect_vreg.gather [hbm4b:s4+s2], $0x80, v4, vm0, $0xb8;
	[tilespmem:$0x10100] =	vst v63  }
0x3d: {  	v3 =	vadd.s32 v1, v3  }
0x3e: {  	[tilespmem:s31], [sflag:$0x1] =	stream.indirect_vreg.gather [hbm4b:s5+s2], $0x80, v4, vm0, $0xb8;
	[tilespmem:$0x10100] =	vst v63  }
0x3f: {  	_ = 	snop  }
0x40: {  	[tilespmem:s9], [sflag:$0x1] =	stream.indirect_vreg.gather [hbm4b:s6+s2], $0x80, v4, vm0, $0xb8;
	[tilespmem:$0x10100] =	vst v63  }
0x41: {  	s1 =	simm.s32 $0x6100  }
0x42: {  	[tilespmem:s1], [sflag:$0x1] =	stream.indirect_vreg.gather [hbm4b:s3+s2], $0x80, v3, vm0, $0xb8;
	[tilespmem:$0x10100] =	vst v63  }
0x43: {  	_ = 	snop  }
0x44: {  	[tilespmem:s10], [sflag:$0x1] =	stream.indirect_vreg.gather [hbm4b:s4+s2], $0x80, v3, vm0, $0xb8;
	[tilespmem:$0x10100] =	vst v63  }
0x45: {  	_ = 	snop  }
0x46: {  	[tilespmem:s11], [sflag:$0x1] =	stream.indirect_vreg.gather [hbm4b:s5+s2], $0x80, v3, vm0, $0xb8;
	[tilespmem:$0x10100] =	vst v63  }
0x47: {  	_ = 	snop  }
0x48: {  	[tilespmem:s12], [sflag:$0x1] =	stream.indirect_vreg.gather [hbm4b:s6+s2], $0x80, v3, vm0, $0xb8;
	[tilespmem:$0x10100] =	vst v63  }
0x49: {  	v3 =	vld [tilespmem:$0x20];
	_ =	sdelay $0x4  }
0x4a: {  	v58 =	vshll.u32 v3, $0x3  }
0x4b: {  	v3 =	vand.u32 $0x7, v3;
	v4 =	vand.u32 $0xFFFFFFC0, v58  }
0x4c: {  	v3 =	vor.u32 v3, v4  }
0x4d: {  	v4 =	vperm.xlane v3, v0;
	_ =	sdelay $0x1  }
0x4e: {  	v4 =	vadd.s32 v1, v4;
	_ =	sdelay $0x4  }
0x4f: {  	[tilespmem:s0], [sflag:$0x1] =	stream.indirect_vreg.gather [hbm4b:s3+s2], $0x80, v4, vm0, $0xb8;
	[tilespmem:$0x10100] =	vst v63  }
0x50: {  	v3 =	vperm.xlane v3, v2  }
0x51: {  	[tilespmem:s13], [sflag:$0x1] =	stream.indirect_vreg.gather [hbm4b:s4+s2], $0x80, v4, vm0, $0xb8;
	[tilespmem:$0x10100] =	vst v63  }
0x52: {  	v3 =	vadd.s32 v1, v3  }
0x53: {  	[tilespmem:s14], [sflag:$0x1] =	stream.indirect_vreg.gather [hbm4b:s5+s2], $0x80, v4, vm0, $0xb8;
	[tilespmem:$0x10100] =	vst v63  }
0x54: {  	_ = 	snop  }
0x55: {  	[tilespmem:s15], [sflag:$0x1] =	stream.indirect_vreg.gather [hbm4b:s6+s2], $0x80, v4, vm0, $0xb8;
	[tilespmem:$0x10100] =	vst v63  }
0x56: {  	_ = 	snop  }
0x57: {  	[tilespmem:s16], [sflag:$0x1] =	stream.indirect_vreg.gather [hbm4b:s3+s2], $0x80, v3, vm0, $0xb8;
	[tilespmem:$0x10100] =	vst v63  }
0x58: {  	_ = 	snop  }
0x59: {  	[tilespmem:s17], [sflag:$0x1] =	stream.indirect_vreg.gather [hbm4b:s4+s2], $0x80, v3, vm0, $0xb8;
	[tilespmem:$0x10100] =	vst v63  }
0x5a: {  	s19 =	simm.s32 $0xB100  }
0x5b: {  	[tilespmem:s19], [sflag:$0x1] =	stream.indirect_vreg.gather [hbm4b:s5+s2], $0x80, v3, vm0, $0xb8;
	[tilespmem:$0x10100] =	vst v63  }
0x5c: {  	s19 =	simm.s32 $0xB900  }
0x5d: {  	[tilespmem:s19], [sflag:$0x1] =	stream.indirect_vreg.gather [hbm4b:s6+s2], $0x80, v3, vm0, $0xb8;
	[tilespmem:$0x10100] =	vst v63  }
0x5e: {  	v3 =	vld [tilespmem:$0x30];
	_ =	sdelay $0x4  }
0x5f: {  	v59 =	vshll.u32 v3, $0x3  }
0x60: {  	v3 =	vand.u32 $0x7, v3;
	v4 =	vand.u32 $0xFFFFFFC0, v59  }
0x61: {  	v3 =	vor.u32 v3, v4  }
0x62: {  	v4 =	vperm.xlane v3, v0;
	_ =	sdelay $0x1  }
0x63: {  	v4 =	vadd.s32 v1, v4;
	_ =	sdelay $0x3  }
0x64: {  	s19 =	simm.s32 $0xC100  }
0x65: {  	[tilespmem:s19], [sflag:$0x1] =	stream.indirect_vreg.gather [hbm4b:s3+s2], $0x80, v4, vm0, $0xb8;
	[tilespmem:$0x10100] =	vst v63  }
0x66: {  	v3 =	vperm.xlane v3, v2;
	s19 =	simm.s32 $0xC900  }
0x67: {  	[tilespmem:s19], [sflag:$0x1] =	stream.indirect_vreg.gather [hbm4b:s4+s2], $0x80, v4, vm0, $0xb8;
	[tilespmem:$0x10100] =	vst v63  }
0x68: {  	v3 =	vadd.s32 v1, v3;
	s19 =	simm.s32 $0xD100  }
0x69: {  	[tilespmem:s19], [sflag:$0x1] =	stream.indirect_vreg.gather [hbm4b:s5+s2], $0x80, v4, vm0, $0xb8;
	[tilespmem:$0x10100] =	vst v63  }
0x6a: {  	s19 =	simm.s32 $0xD900  }
0x6b: {  	[tilespmem:s19], [sflag:$0x1] =	stream.indirect_vreg.gather [hbm4b:s6+s2], $0x80, v4, vm0, $0xb8;
	[tilespmem:$0x10100] =	vst v63  }
0x6c: {  	s19 =	simm.s32 $0xE100  }
0x6d: {  	[tilespmem:s19], [sflag:$0x1] =	stream.indirect_vreg.gather [hbm4b:s3+s2], $0x80, v3, vm0, $0xb8;
	[tilespmem:$0x10100] =	vst v63  }
0x6e: {  	s19 =	simm.s32 $0xE900  }
0x6f: {  	[tilespmem:s19], [sflag:$0x1] =	stream.indirect_vreg.gather [hbm4b:s4+s2], $0x80, v3, vm0, $0xb8;
	[tilespmem:$0x10100] =	vst v63  }
0x70: {  	s19 =	simm.s32 $0xF100  }
0x71: {  	[tilespmem:s19], [sflag:$0x1] =	stream.indirect_vreg.gather [hbm4b:s5+s2], $0x80, v3, vm0, $0xb8;
	[tilespmem:$0x10100] =	vst v63  }
0x72: {  	s19 =	simm.s32 $0xF900  }
0x73: {  	[tilespmem:s19], [sflag:$0x1] =	stream.indirect_vreg.gather [hbm4b:s6+s2], $0x80, v3, vm0, $0xb8;
	[tilespmem:$0x10100] =	vst v63  }
0x74: {  	_ =	swait.ge [sflag:s18], $0x8000  }
0x75: {  	[sflag:s18] =	ssyncset.done $0x0  }
0x76: {  	s19 =	rddreg [dreg:$0x5];
	[sflag:s18] =	ssyncadd.s32 $0xFFFF8000  }
0x77: {  	[hbm4b:s19+s2] =	stream.linear.scatter [tilespmem:s25], [sflag:$0x2], $0x8000, $0x38;
	[tilespmem:$0x10100] =	vst v63  }
0x78: {  	_ =	swait.ge [sflag:s8], $0x8000  }
0x79: {  	[sflag:s8] =	ssyncset.done $0x0  }
0x7a: {  	[sflag:s8] =	ssyncadd.s32 $0xFFFF8000  }
0x7b: {  	v3 =	vld [tilespmem:$0x80];
	_ =	sdelay $0x4  }
0x7c: {  	v60 =	vshll.u32 v3, $0x3  }
0x7d: {  	v3 =	vand.u32 $0x7, v3;
	v4 =	vand.u32 $0xFFFFFFC0, v60  }
0x7e: {  	v3 =	vor.u32 v3, v4  }
0x7f: {  	v4 =	vperm.xlane v3, v0;
	_ =	sdelay $0x1  }
0x80: {  	v4 =	vadd.s32 v1, v4;
	_ =	sdelay $0x4  }
0x81: {  	[tilespmem:s25], [sflag:$0x1] =	stream.indirect_vreg.gather [hbm4b:s3+s2], $0x80, v4, vm0, $0xb8;
	[tilespmem:$0x10100] =	vst v63  }
0x82: {  	v3 =	vperm.xlane v3, v2  }
0x83: {  	[tilespmem:s20], [sflag:$0x1] =	stream.indirect_vreg.gather [hbm4b:s4+s2], $0x80, v4, vm0, $0xb8;
	[tilespmem:$0x10100] =	vst v63  }
0x84: {  	v3 =	vadd.s32 v1, v3  }
0x85: {  	[tilespmem:s21], [sflag:$0x1] =	stream.indirect_vreg.gather [hbm4b:s5+s2], $0x80, v4, vm0, $0xb8;
	[tilespmem:$0x10100] =	vst v63  }
0x86: {  	_ = 	snop  }
0x87: {  	[tilespmem:s22], [sflag:$0x1] =	stream.indirect_vreg.gather [hbm4b:s6+s2], $0x80, v4, vm0, $0xb8;
	[tilespmem:$0x10100] =	vst v63  }
0x88: {  	_ = 	snop  }
0x89: {  	[tilespmem:s23], [sflag:$0x1] =	stream.indirect_vreg.gather [hbm4b:s3+s2], $0x80, v3, vm0, $0xb8;
	[tilespmem:$0x10100] =	vst v63  }
0x8a: {  	_ = 	snop  }
0x8b: {  	[tilespmem:s24], [sflag:$0x1] =	stream.indirect_vreg.gather [hbm4b:s4+s2], $0x80, v3, vm0, $0xb8;
	[tilespmem:$0x10100] =	vst v63  }
0x8c: {  	_ = 	snop  }
0x8d: {  	[tilespmem:s26], [sflag:$0x1] =	stream.indirect_vreg.gather [hbm4b:s5+s2], $0x80, v3, vm0, $0xb8;
	[tilespmem:$0x10100] =	vst v63  }
0x8e: {  	_ = 	snop  }
0x8f: {  	[tilespmem:s28], [sflag:$0x1] =	stream.indirect_vreg.gather [hbm4b:s6+s2], $0x80, v3, vm0, $0xb8;
	[tilespmem:$0x10100] =	vst v63  }
0x90: {  	v3 =	vld [tilespmem:$0x90];
	_ =	sdelay $0x4  }
0x91: {  	v61 =	vshll.u32 v3, $0x3  }
0x92: {  	v3 =	vand.u32 $0x7, v3;
	v4 =	vand.u32 $0xFFFFFFC0, v61  }
0x93: {  	v3 =	vor.u32 v3, v4  }
0x94: {  	v4 =	vperm.xlane v3, v0;
	_ =	sdelay $0x1  }
0x95: {  	v4 =	vadd.s32 v1, v4;
	_ =	sdelay $0x4  }
0x96: {  	[tilespmem:s29], [sflag:$0x1] =	stream.indirect_vreg.gather [hbm4b:s3+s2], $0x80, v4, vm0, $0xb8;
	[tilespmem:$0x10100] =	vst v63  }
0x97: {  	v3 =	vperm.xlane v3, v2  }
0x98: {  	[tilespmem:s30], [sflag:$0x1] =	stream.indirect_vreg.gather [hbm4b:s4+s2], $0x80, v4, vm0, $0xb8;
	[tilespmem:$0x10100] =	vst v63  }
0x99: {  	v3 =	vadd.s32 v1, v3  }
0x9a: {  	[tilespmem:s31], [sflag:$0x1] =	stream.indirect_vreg.gather [hbm4b:s5+s2], $0x80, v4, vm0, $0xb8;
	[tilespmem:$0x10100] =	vst v63  }
0x9b: {  	_ = 	snop  }
0x9c: {  	[tilespmem:s9], [sflag:$0x1] =	stream.indirect_vreg.gather [hbm4b:s6+s2], $0x80, v4, vm0, $0xb8;
	[tilespmem:$0x10100] =	vst v63  }
0x9d: {  	_ = 	snop  }
0x9e: {  	[tilespmem:s1], [sflag:$0x1] =	stream.indirect_vreg.gather [hbm4b:s3+s2], $0x80, v3, vm0, $0xb8;
	[tilespmem:$0x10100] =	vst v63  }
0x9f: {  	_ = 	snop  }
0xa0: {  	[tilespmem:s10], [sflag:$0x1] =	stream.indirect_vreg.gather [hbm4b:s4+s2], $0x80, v3, vm0, $0xb8;
	[tilespmem:$0x10100] =	vst v63  }
0xa1: {  	_ = 	snop  }
0xa2: {  	[tilespmem:s11], [sflag:$0x1] =	stream.indirect_vreg.gather [hbm4b:s5+s2], $0x80, v3, vm0, $0xb8;
	[tilespmem:$0x10100] =	vst v63  }
0xa3: {  	_ = 	snop  }
0xa4: {  	[tilespmem:s12], [sflag:$0x1] =	stream.indirect_vreg.gather [hbm4b:s6+s2], $0x80, v3, vm0, $0xb8;
	[tilespmem:$0x10100] =	vst v63  }
0xa5: {  	_ =	swait.ge [sflag:s18], $0x8000  }
0xa6: {  	[sflag:s18] =	ssyncset.done $0x0  }
0xa7: {  	s1 =	rddreg [dreg:$0x6];
	[sflag:s18] =	ssyncadd.s32 $0xFFFF8000  }
0xa8: {  	[hbm4b:s1+s2] =	stream.linear.scatter [tilespmem:s0], [sflag:$0x2], $0x8000, $0x38;
	[tilespmem:$0x10100] =	vst v63  }
0xa9: {  	_ =	swait.ge [sflag:s8], $0x8000  }
0xaa: {  	[sflag:s8] =	ssyncset.done $0x0  }
0xab: {  	[sflag:s8] =	ssyncadd.s32 $0xFFFF8000  }
0xac: {  	v3 =	vld [tilespmem:$0xA0];
	_ =	sdelay $0x4  }
0xad: {  	v62 =	vshll.u32 v3, $0x3  }
0xae: {  	v3 =	vand.u32 $0x7, v3;
	v4 =	vand.u32 $0xFFFFFFC0, v62  }
0xaf: {  	v3 =	vor.u32 v3, v4  }
0xb0: {  	v4 =	vperm.xlane v3, v0;
	_ =	sdelay $0x1  }
0xb1: {  	v4 =	vadd.s32 v1, v4;
	_ =	sdelay $0x4  }
0xb2: {  	[tilespmem:s0], [sflag:$0x1] =	stream.indirect_vreg.gather [hbm4b:s3+s2], $0x80, v4, vm0, $0xb8;
	[tilespmem:$0x10100] =	vst v63  }
0xb3: {  	v3 =	vperm.xlane v3, v2  }
0xb4: {  	[tilespmem:s13], [sflag:$0x1] =	stream.indirect_vreg.gather [hbm4b:s4+s2], $0x80, v4, vm0, $0xb8;
	[tilespmem:$0x10100] =	vst v63  }
0xb5: {  	v3 =	vadd.s32 v1, v3  }
0xb6: {  	[tilespmem:s14], [sflag:$0x1] =	stream.indirect_vreg.gather [hbm4b:s5+s2], $0x80, v4, vm0, $0xb8;
	[tilespmem:$0x10100] =	vst v63  }
0xb7: {  	_ = 	snop  }
0xb8: {  	[tilespmem:s15], [sflag:$0x1] =	stream.indirect_vreg.gather [hbm4b:s6+s2], $0x80, v4, vm0, $0xb8;
	[tilespmem:$0x10100] =	vst v63  }
0xb9: {  	_ = 	snop  }
0xba: {  	[tilespmem:s16], [sflag:$0x1] =	stream.indirect_vreg.gather [hbm4b:s3+s2], $0x80, v3, vm0, $0xb8;
	[tilespmem:$0x10100] =	vst v63  }
0xbb: {  	_ = 	snop  }
0xbc: {  	[tilespmem:s17], [sflag:$0x1] =	stream.indirect_vreg.gather [hbm4b:s4+s2], $0x80, v3, vm0, $0xb8;
	[tilespmem:$0x10100] =	vst v63  }
0xbd: {  	s19 =	simm.s32 $0xB100  }
0xbe: {  	[tilespmem:s19], [sflag:$0x1] =	stream.indirect_vreg.gather [hbm4b:s5+s2], $0x80, v3, vm0, $0xb8;
	[tilespmem:$0x10100] =	vst v63  }
0xbf: {  	s20 =	simm.s32 $0xB900  }
0xc0: {  	[tilespmem:s20], [sflag:$0x1] =	stream.indirect_vreg.gather [hbm4b:s6+s2], $0x80, v3, vm0, $0xb8;
	[tilespmem:$0x10100] =	vst v63  }
0xc1: {  	v3 =	vld [tilespmem:$0xB0];
	_ =	sdelay $0x4  }
0xc2: {  	v63 =	vshll.u32 v3, $0x3  }
0xc3: {  	v3 =	vand.u32 $0x7, v3;
	v4 =	vand.u32 $0xFFFFFFC0, v63  }
0xc4: {  	v3 =	vor.u32 v3, v4  }
0xc5: {  	v4 =	vperm.xlane v3, v0;
	_ =	sdelay $0x1  }
0xc6: {  	v4 =	vadd.s32 v1, v4;
	_ =	sdelay $0x3  }
0xc7: {  	s19 =	simm.s32 $0xC100  }
0xc8: {  	[tilespmem:s19], [sflag:$0x1] =	stream.indirect_vreg.gather [hbm4b:s3+s2], $0x80, v4, vm0, $0xb8;
	[tilespmem:$0x10100] =	vst v63  }
0xc9: {  	s20 =	simm.s32 $0xC900;
	v3 =	vperm.xlane v3, v2  }
0xca: {  	[tilespmem:s20], [sflag:$0x1] =	stream.indirect_vreg.gather [hbm4b:s4+s2], $0x80, v4, vm0, $0xb8;
	[tilespmem:$0x10100] =	vst v63  }
0xcb: {  	v3 =	vadd.s32 v1, v3;
	s19 =	simm.s32 $0xD100  }
0xcc: {  	[tilespmem:s19], [sflag:$0x1] =	stream.indirect_vreg.gather [hbm4b:s5+s2], $0x80, v4, vm0, $0xb8;
	[tilespmem:$0x10100] =	vst v63  }
0xcd: {  	s20 =	simm.s32 $0xD900  }
0xce: {  	[tilespmem:s20], [sflag:$0x1] =	stream.indirect_vreg.gather [hbm4b:s6+s2], $0x80, v4, vm0, $0xb8;
	[tilespmem:$0x10100] =	vst v63  }
0xcf: {  	s19 =	simm.s32 $0xE100  }
0xd0: {  	[tilespmem:s19], [sflag:$0x1] =	stream.indirect_vreg.gather [hbm4b:s3+s2], $0x80, v3, vm0, $0xb8;
	[tilespmem:$0x10100] =	vst v63  }
0xd1: {  	s20 =	simm.s32 $0xE900  }
0xd2: {  	[tilespmem:s20], [sflag:$0x1] =	stream.indirect_vreg.gather [hbm4b:s4+s2], $0x80, v3, vm0, $0xb8;
	[tilespmem:$0x10100] =	vst v63  }
0xd3: {  	s19 =	simm.s32 $0xF100  }
0xd4: {  	[tilespmem:s19], [sflag:$0x1] =	stream.indirect_vreg.gather [hbm4b:s5+s2], $0x80, v3, vm0, $0xb8;
	[tilespmem:$0x10100] =	vst v63  }
0xd5: {  	s20 =	simm.s32 $0xF900  }
0xd6: {  	[tilespmem:s20], [sflag:$0x1] =	stream.indirect_vreg.gather [hbm4b:s6+s2], $0x80, v3, vm0, $0xb8;
	[tilespmem:$0x10100] =	vst v63  }
0xd7: {  	_ =	swait.ge [sflag:s18], $0x8000  }
0xd8: {  	[sflag:s18] =	ssyncset.done $0x0  }
0xd9: {  	s1 =	rddreg [dreg:$0x7];
	[sflag:s18] =	ssyncadd.s32 $0xFFFF8000  }
0xda: {  	[hbm4b:s1+s2] =	stream.linear.scatter [tilespmem:s25], [sflag:$0x2], $0x8000, $0x38;
	[tilespmem:$0x10100] =	vst v63  }
0xdb: {  	_ =	swait.ge [sflag:s8], $0x8000  }
0xdc: {  	[sflag:s8] =	ssyncset.done $0x0  }
0xdd: {  	[sflag:s8] =	ssyncadd.s32 $0xFFFF8000  }
0xde: {  	_ =	swait.ge [sflag:s18], $0x8000  }
0xdf: {  	p0 =	sne.s32 s7, $0x1;
	[sflag:s18] =	ssyncset.done $0x0  }
.Ltmp0:
0xe0: {  	s20 =	rddreg [dreg:$0x8];
	[sflag:s18] =	ssyncadd.s32 $0xFFFF8000;
	(pc) =	sbr.rel @p0 .LBB2_1-.Ltmp0, $4  }
0xe1: {  	[hbm4b:s20+s2] =	stream.linear.scatter [tilespmem:s0], [sflag:$0x2], $0x8000, $0x38;
	[tilespmem:$0x10100] =	vst v63  }
0xe2: {  	_ =	swait.ge [sflag:s8], $0x8000  }
0xe3: {  	[sflag:s8] =	ssyncset.done $0x0  }
0xe4: {  	s7 =	sadd.s32 $0xFFFFFFFF, s7;
	[sflag:s8] =	ssyncadd.s32 $0xFFFF8000  }
0xe5: {  	_ =	sfence.sel $0x180000  }
0xe6: {  	[bflag:$0x0] =	sbarrier.arrive $0xFFFF  }
0xe7: {  	_ =	strace $0x9000004A  }
0xe8: {  	s0 =	stileid.u32;
	[bflag:$0x2] =	sbarrier.arrive $0xFFFF  }
0xe9: {  	p0 =	sne.s32 s0, $0x0;
	s0 =	rddreg [dreg:$0x2]  }
0xea: {  	s0 =	sadd.s32 @!p0 $0x100000, s0  }
0xeb: {  	[sflag:s0] =	ssyncadd.tile.s32 @!p0 $0x1;
	_ =	shalt  }
.Lfunc_end2:
_tile_overlayer_lowered:
.L_overlay_start_2:
0xec: {  	(tag) =	ssettag $0x2  }
0xed: {  	s0 =	rddreg [dreg:$0x0];
	s2 =	stileid.u32  }
0xee: {  	s1 =	rddreg [dreg:$0x1];
	p0 =	sne.s32 s2, $0x0  }
0xef: {  	s3 =	rddreg [dreg:$0x2];
	[bflag:$0x3] =	sbarrier.arrive $0xFFFF;
	s2 =	simm.s32 @!p0 $0x1C02  }
0xf0: {  	[timem:s3], [sflag:s2] =	dma.local @!p0 [hbm:s0], s1  }
0xf1: {  	s0 =	simm.s32 @!p0 $0x2  }
0xf2: {  	_ =	swait.ge @!p0 [sflag:s0], s1  }
0xf3: {  	s1 =	ssub.s32 @!p0 $0x0, s1;
	[sflag:s0] =	ssyncset.done @!p0 $0x0  }
0xf4: {  	[sflag:s0] =	ssyncadd.s32 @!p0 s1  }
0xf5: {  	[bflag:$0x3] =	sbarrier.arrive $0xFFFF  }
0xf6: {  	_ =	shalt  }

// kernel: kernel.7.cloned.1.call-start
scs
__scs_entry_jumppad:
0x0: {  	(pc) =	sbr.rel $0x88, $3  }
0x1: {  	(tag) =	ssettag $0x0;
	lr =	simm.s32 $0x1  }
0x2: {  	[smem:$0x3F9B] =	sst lr;
	_ =	strace $0xD0000000  }
0x3: {  	_ = 	snop  }
0x4: {  	_ = 	snop  }
0x5: {  	_ = 	snop  }
0x6: {  	_ = 	snop  }
0x7: {  	_ = 	snop  }
__scs_overlays_trampoline_lowered:
0x8: {  	[smem:$0x3FAA] =	sst s0  }
0x9: {  	[smem:$0x3FAB] =	sst s1  }
0xa: {  	[smem:$0x3FAC] =	sst s2  }
0xb: {  	[smem:$0x3FAD] =	sst s3  }
0xc: {  	[smem:$0x3FAE] =	sst s4  }
0xd: {  	[smem:$0x3FAF] =	sst s5  }
0xe: {  	[smem:$0x3FB0] =	sst s6  }
0xf: {  	[smem:$0x3FB1] =	sst s7  }
0x10: {  	[smem:$0x3FB2] =	sst s8  }
0x11: {  	[smem:$0x3FB3] =	sst s9;
	s0 =	simm.s32 @!p0 $0x0  }
0x12: {  	s1 =	sld [smem:$0x3F99];
	s0 =	simm.s32 @p0 $0x1  }
0x13: {  	[smem:$0x3FB4] =	sst s0;
	s0 =	simm.s32 @!p1 $0x0  }
0x14: {  	s2 =	sld [smem:$0x3F98];
	s0 =	simm.s32 @p1 $0x1  }
0x15: {  	[smem:$0x3FB5] =	sst s0;
	s0 =	simm.s32 @!p2 $0x0  }
0x16: {  	s3 =	sld [smem:$0x3FDB];
	s0 =	simm.s32 @p2 $0x1  }
0x17: {  	s4 =	simm.s32 $0x1BF5;
	[smem:$0x3FB7] =	sst s0  }
0x18: {  	s0 =	sld [smem:$0x3F9A];
	_ =	swait.ge [sflag:s4], $0x0  }
0x19: {  	s7 =	sld [smem:$0x3F9B]  }
0x1a: {  	s8 =	sadd.s32 $0xFFFFE003, lr  }
0x1b: {  	s9 =	sadd.s32 $0xFFFFFEF7, lr;
	s5 =	simm.s32 $0xFFFFFFFF;
	p2 =	slt.u32 s8, $0xFFFFF086  }
0x1c: {  	p1 =	slt.u32 s9, $0xF7A;
	s5 =	simm.s32 @!p2 $0x0  }
0x1d: {  	s5 =	simm.s32 @p1 $0x1;
	p0 =	seq.s32 s7, s2  }
0x1e: {  	s7 =	smul.u32 @!p0 $0xF7A, s2;
	p2 =	seq.s32 @!p0 s5, $0x0  }
0x1f: {  	s9 =	smul.u32 $0xF7A, s1;
	s8 =	simm.s32 @!p0 $0x1BF5;
	p2 =	por !p2, p0  }
0x20: {  	[sflag:s8] =	ssyncset.s32 @!p0 $0xFFFFF086;
	s6 =	sadd.s32 @!p0 s3, s7;
	s7 =	simm.s32 @!p0 $0x108  }
0x21: {  	s3 =	sadd.s32 s3, s9;
	s6 =	sadd.s32 @!p0 $0x88, s6;
	s7 =	simm.s32 @p2 $0x1082  }
0x22: {  	[simem:s7], [sflag:s8] =	dma.local @!p0 [hbm:s6], $0xF7A  }
0x23: {  	s9 =	sor.u32 $0xD0000000, s2;
	s6 =	simm.s32 $0x108;
	_ =	swait.ge @!p0 [sflag:s8], $0x0  }
0x24: {  	s3 =	sadd.s32 $0x88, s3;
	s6 =	simm.s32 @!p1 $0x1082;
	[sflag:s4] =	ssyncset.s32 $0xFFFFF086  }
0x25: {  	[simem:s6], [sflag:s4] =	dma.local [hbm:s3], $0xF7A  }
0x26: {  	[smem:$0x3F9B] =	sst s1;
	(tag) =	ssettag s2;
	_ =	strace s9  }
0x27: {  	s1 =	sld [smem:$0x3FAB]  }
0x28: {  	s2 =	sld [smem:$0x3FAC]  }
0x29: {  	s4 =	sld [smem:$0x3FAE]  }
0x2a: {  	p0 =	seq.s32 s5, $0x0;
	s5 =	sld [smem:$0x3FAF]  }
0x2b: {  	s6 =	sld [smem:$0x3FB0]  }
0x2c: {  	s7 =	sld [smem:$0x3FB1]  }
0x2d: {  	s3 =	simm.s32 $0x108;
	s8 =	sld [smem:$0x3FB2]  }
0x2e: {  	s3 =	simm.s32 @!p0 $0x1082;
	s9 =	sld [smem:$0x3FB3]  }
0x2f: {  	lr =	sadd.s32 s0, s3;
	s0 =	sld [smem:$0x3FAA]  }
0x30: {  	s3 =	sld [smem:$0x3FAD]  }
0x31: {  	[smem:$0x3FB6] =	sst s10  }
0x32: {  	s10 =	sld [smem:$0x3FB4];
	_ =	sdelay $0x3  }
0x33: {  	p0 =	seq.s32 s10, $0x1;
	s10 =	sld [smem:$0x3FB6];
	_ =	sdelay $0x3  }
0x34: {  	[smem:$0x3FB6] =	sst s10  }
0x35: {  	s10 =	sld [smem:$0x3FB5];
	_ =	sdelay $0x3  }
0x36: {  	p1 =	seq.s32 s10, $0x1;
	s10 =	sld [smem:$0x3FB6];
	_ =	sdelay $0x3  }
0x37: {  	[smem:$0x3FB6] =	sst s10  }
0x38: {  	s10 =	sld [smem:$0x3FB7]  }
0x39: {  	_ = 	snop;
	(pc) =	sbr.ind lr, $3  }
0x3a: {  	_ = 	snop  }
0x3b: {  	_ = 	snop  }
0x3c: {  	p2 =	seq.s32 s10, $0x1;
	s10 =	sld [smem:$0x3FB6]  }
0x3d: {  	_ =	shalt  }
0x3e: {  	_ =	shalt  }
0x3f: {  	_ =	shalt  }
0x40: {  	_ =	shalt  }
0x41: {  	_ =	shalt  }
0x42: {  	_ =	shalt  }
0x43: {  	_ =	shalt  }
0x44: {  	_ =	shalt  }
0x45: {  	_ =	shalt  }
0x46: {  	_ =	shalt  }
0x47: {  	_ =	shalt  }
0x48: {  	_ =	shalt  }
0x49: {  	_ =	shalt  }
0x4a: {  	_ =	shalt  }
0x4b: {  	_ =	shalt  }
0x4c: {  	_ =	shalt  }
0x4d: {  	_ =	shalt  }
0x4e: {  	_ =	shalt  }
0x4f: {  	_ =	shalt  }
0x50: {  	_ =	shalt  }
0x51: {  	_ =	shalt  }
0x52: {  	_ =	shalt  }
0x53: {  	_ =	shalt  }
0x54: {  	_ =	shalt  }
0x55: {  	_ =	shalt  }
0x56: {  	_ =	shalt  }
0x57: {  	_ =	shalt  }
0x58: {  	_ =	shalt  }
0x59: {  	_ =	shalt  }
0x5a: {  	_ =	shalt  }
0x5b: {  	_ =	shalt  }
0x5c: {  	_ =	shalt  }
0x5d: {  	_ =	shalt  }
0x5e: {  	_ =	shalt  }
0x5f: {  	_ =	shalt  }
0x60: {  	_ =	shalt  }
0x61: {  	_ =	shalt  }
0x62: {  	_ =	shalt  }
0x63: {  	_ =	shalt  }
0x64: {  	_ =	shalt  }
0x65: {  	_ =	shalt  }
0x66: {  	_ =	shalt  }
0x67: {  	_ =	shalt  }
0x68: {  	_ =	shalt  }
0x69: {  	_ =	shalt  }
0x6a: {  	_ =	shalt  }
0x6b: {  	_ =	shalt  }
0x6c: {  	_ =	shalt  }
0x6d: {  	_ =	shalt  }
0x6e: {  	_ =	shalt  }
0x6f: {  	_ =	shalt  }
0x70: {  	_ =	shalt  }
0x71: {  	_ =	shalt  }
0x72: {  	_ =	shalt  }
0x73: {  	_ =	shalt  }
0x74: {  	_ =	shalt  }
0x75: {  	_ =	shalt  }
0x76: {  	_ =	shalt  }
0x77: {  	_ =	shalt  }
0x78: {  	_ =	shalt  }
0x79: {  	_ =	shalt  }
0x7a: {  	_ =	shalt  }
0x7b: {  	_ =	shalt  }
0x7c: {  	_ =	shalt  }
0x7d: {  	_ =	shalt  }
0x7e: {  	_ =	shalt  }
0x7f: {  	_ =	shalt  }
0x80: {  	_ =	shalt  }
0x81: {  	_ =	shalt  }
0x82: {  	_ =	shalt  }
0x83: {  	_ =	shalt  }
0x84: {  	_ =	shalt  }
0x85: {  	_ =	shalt  }
0x86: {  	_ =	shalt  }
0x87: {  	_ =	shalt  }
.Lfunc_end0:
.L_simem_size_0:
called_computation_lowered:
.L_overlay_start_0:
0x88: {  	s2 =	sld [smem:$0x3FD9]  }
0x89: {  	s3 =	sld [smem:$0x3FFE];
	_ =	sdelay $0x1  }
0x8a: {  	s1 =	srdreg.scid  }
0x8b: {  	s0 =	sand.u32 $0x1, s1  }
0x8c: {  	s17 =	sshll.u32 s0, $0xA;
	s2 =	sadd.s32 s3, s2  }
0x8d: {  	s2 =	sadd.s32 s2, s17  }
0x8e: {  	[smem:$0x3FC2] =	sst s2  }
0x8f: {  	_ = 	snop  }
0x90: {  	s2 =	sld [smem:$0x3FC9];
	(tm) =	ssettm $0x1  }
0x91: {  	s18 =	sld [smem:$0x3FFB];
	_ =	sdelay $0x3  }
0x92: {  	_ =	strace s18  }
0x93: {  	s3 =	sld [smem:$0x3FFC];
	_ =	sdelay $0x3  }
0x94: {  	_ =	strace s3  }
0x95: {  	s3 =	sld [smem:$0x3FFD];
	_ =	sdelay $0x3  }
0x96: {  	_ =	strace s3  }
0x97: {  	_ =	strace $0x8FFFFFFF  }
0x98: {  	s19 =	sld [smem:$0x3FDB];
	_ =	sdelay $0x1  }
0x99: {  	s4 =	simm.s32 $_scs_section_size  }
0x9a: {  	s5 =	simm.s32 $_size__tile_overlayer_lowered;
	s6 =	simm.s32 $_tile_overlayer_lowered  }
0x9b: {  	s22 =	simm.s32 $0x1BFF;
	s21 =	sshll.u32 s6, $0x1;
	s3 =	sadd.s32 s4, s19  }
0x9c: {  	s7 =	simm.s32 $0x0;
	s20 =	sshll.u32 s5, $0x1;
	s5 =	sadd.s32 s21, s3  }
0x9d: {  	[timem:s7], [sflag:s22] =	dma.local [hbm:s5], s20  }
0x9e: {  	_ =	swait.ge [sflag:s22], s20  }
0x9f: {  	s4 =	ssub.s32 $0x0, s20;
	[sflag:s22] =	ssyncset.done $0x0  }
0xa0: {  	[sflag:s22] =	ssyncadd.s32 s4;
	_ =	sdelay $0x1  }
0xa1: {  	s23 =	simm.s32 $0x1B8B  }
0xa2: {  	_ =	swait.ge [sflag:s23], $0x1  }
0xa3: {  	[sflag:s23] =	ssyncset.done $0x0  }
0xa4: {  	s25 =	simm.s32 $0x1B8E;
	s24 =	sld [smem:$0x3FFE];
	[sflag:s23] =	ssyncadd.s32 $0xFFFFFFFF  }
0xa5: {  	s26 =	simm.s32 $execute0_lowered;
	[smem:$0x3FD2] =	sst s25  }
0xa6: {  	s5 =	sshll.u32 s26, $0x1;
	_ =	strace $0x80000046;
	[dreg:$0x1] =	wrdreg $0xFFFFFFFF  }
0xa7: {  	s28 =	simm.s32 $_size_execute0_lowered;
	s3 =	sadd.s32 s3, s5;
	[dreg:$0x0] =	wrdreg $0x0  }
0xa8: {  	s5 =	sshll.u32 s28, $0x1;
	[dreg:$0x2] =	wrdreg s3  }
0xa9: {  	[dreg:$0x3] =	wrdreg s5  }
0xaa: {  	[dreg:$0x4] =	wrdreg $0xC0  }
0xab: {  	_ =	task [dreg:s7], $0x5FFFF  }
0xac: {  	[dreg:$0x1] =	wrdreg $0xFFFFFFFF  }
0xad: {  	[dreg:$0x0] =	wrdreg $0x60  }
0xae: {  	[dreg:$0x2] =	wrdreg s2  }
0xaf: {  	[dreg:$0x3] =	wrdreg s24  }
0xb0: {  	[dreg:$0x4] =	wrdreg $0x9  }
0xb1: {  	_ =	task.clear_ibuf [dreg:s7], $0x5FFFF;
	_ =	strace $0x90000046  }
0xb2: {  	s29 =	simm.s32 $0x9;
	_ =	strace $0x80000048  }
0xb3: {  	_ =	swait.ge [sflag:s29], $0x1  }
0xb4: {  	[sflag:s29] =	ssyncadd.s32 $0xFFFFFFFF  }
0xb5: {  	_ =	strace $0x90000048  }
0xb6: {  	_ =	sfence  }
0xb7: {  	s30 =	sld [smem:$0x0];
	_ =	sdelay $0x2  }
0xb8: {  	s31 =	sshll.u32 s1, $0xD;
	s1 =	sshrl.u32 s1, $0x2  }
0xb9: {  	s3 =	sand.u32 $0x4000, s31;
	s1 =	sadd.s32 s1, s30  }
0xba: {  	s0 =	sor.u32 s3, s0;
	s1 =	sshll.u32 s1, $0x11  }
0xbb: {  	s0 =	sor.u32 s1, s0  }
0xbc: {  	s0 =	sadd.s32 $0x8F2B, s0  }
0xbd: {  	[sflag:s0] =	ssyncadd.remote.s32 $0x1  }
0xbe: {  	_ =	sfence.sel $0xFFFF  }
0xbf: {  	[dreg:$0x0] =	wrdreg $0xFFFFFFFF;
	(pc) =	sbr.abs _section_cstart, $3  }
0xc0: {  	[dreg:$0x1] =	wrdreg $0xFFFFFFFF  }
0xc1: {  	_ =	task.clear_ibuf [dreg:s7], $0x2FFFF;
	_ =	strace $0x9FFFFFFF  }
0xc2: {  	(tm) =	ssettm $0x7FFFFFFF  }
0xc3: {  	_ =	shalt  }
tec
execute0_lowered:
.L_overlay_start_1:
0x0: {  	(tag) =	ssettag $0x1  }
0x1: {  	s0 =	srdreg.scid  }
0x2: {  	s1 =	rddreg [dreg:$0x0];
	s2 =	stileid.u32  }
0x3: {  	s6 =	rddreg [dreg:$0x1];
	s26 =	simm.s32 $0x80;
	s8 =	simm.s32 $0x2  }
0x4: {  	s18 =	simm.s32 $0x100;
	s21 =	simm.s32 $0x1900;
	s22 =	simm.s32 $0x2100  }
0x5: {  	s23 =	simm.s32 $0x2900;
	s24 =	simm.s32 $0x3100;
	s28 =	simm.s32 $0x4900  }
0x6: {  	s29 =	simm.s32 $0x5100;
	s30 =	simm.s32 $0x5900;
	s31 =	simm.s32 $0x6100  }
0x7: {  	s10 =	simm.s32 $0x7900;
	s11 =	simm.s32 $0x8100;
	s12 =	simm.s32 $0x8900  }
0x8: {  	s13 =	simm.s32 $0x9100;
	s14 =	simm.s32 $0x9900;
	s15 =	simm.s32 $0xA100  }
0x9: {  	s16 =	simm.s32 $0xA900;
	s17 =	simm.s32 $0xB100;
	s9 =	simm.s32 $0xB900  }
0xa: {  	s0 =	sand.u32 $0x1, s0;
	s3 =	sshll.u32 s2, $0x7;
	s2 =	simm.s32 $0x0  }
0xb: {  	s4 =	sshll.u32 s0, $0x6;
	[smem:$0x7FF] =	sst s2;
	s0 =	ssub.s32 $0x2, s0  }
0xc: {  	s4 =	sor.u32 s4, s3;
	_ =	strace $0x80000047;
	s25 =	sshrl.u32 s0, $0x1  }
0xd: {  	[dreg:$0x6] =	wrdreg s26;
	s3 =	sshrl.u32 s4, $0x3;
	s4 =	sshll.u32 s4, $0x7  }
0xe: {  	s26 =	simm.s32 $0x4100;
	s5 =	sadd.s32 s3, s6;
	s1 =	sadd.s32 s1, s4  }
0xf: {  	s0 =	ssub.s32 s0, s25;
	s7 =	sadd.s32 $0x1800, s5;
	[dreg:$0x5] =	wrdreg s1  }
0x10: {  	v2 =	vlaneseq.u32;
	s25 =	simm.s32 $0x3900;
	s5 =	sadd.s32 $0x1A00, s5;
	[dreg:$0x3] =	wrdreg s7  }
0x11: {  	vm0 =	vmmov $0xffff;
	v1 =	vshrl.u32 v2, $0x3;
	s3 =	sadd.s32 $0x1C00, s6;
	s4 =	sadd.s32 $0x1D00, s6;
	[dreg:$0x4] =	wrdreg s5  }
0x12: {  	v0 =	vand.u32 $0x7, v2;
	v2 =	vor.u32 $0x8, v2;
	v1 =	vmul.u32 $0x8, v1;
	s5 =	sadd.s32 $0x1E00, s6;
	s6 =	sadd.s32 $0x1F00, s6;
	s7 =	smax.u32 s0, $0x1  }
.LBB2_1:
0x13: {  	s19 =	rddreg [dreg:$0x3]  }
0x14: {  	[tilespmem:s2], [sflag:$0x2] =	stream.linear.gather [hbm4b:s19+s2], $0x40, $0x38;
	[tilespmem:$0x10100] =	vst v63  }
0x15: {  	_ =	swait.ge [sflag:s8], $0x40  }
0x16: {  	s0 =	rddreg [dreg:$0x4];
	[sflag:s8] =	ssyncset.done $0x0  }
0x17: {  	s20 =	rddreg [dreg:$0x6];
	[sflag:s8] =	ssyncadd.s32 $0xFFFFFFC0  }
0x18: {  	[tilespmem:s20], [sflag:$0x2] =	stream.linear.gather [hbm4b:s0+s2], $0x40, $0x38;
	[tilespmem:$0x10100] =	vst v63  }
0x19: {  	_ =	swait.ge [sflag:s8], $0x40  }
0x1a: {  	[sflag:s8] =	ssyncset.done $0x0  }
0x1b: {  	s1 =	rddreg [dreg:$0x5];
	[sflag:s8] =	ssyncadd.s32 $0xFFFFFFC0  }
0x1c: {  	[tilespmem:s18], [sflag:$0x2] =	stream.linear.gather [hbm4b:s1+s2], $0x10000, $0x38;
	[tilespmem:$0x10100] =	vst v63  }
0x1d: {  	_ =	swait.ge [sflag:s8], $0x10000  }
0x1e: {  	[sflag:s8] =	ssyncset.done $0x0  }
0x1f: {  	[sflag:s8] =	ssyncadd.s32 $0xFFFF0000  }
0x20: {  	v3 =	vld [tilespmem:$0x0];
	_ =	sdelay $0x4  }
0x21: {  	v4 =	vshll.u32 v3, $0x3  }
0x22: {  	v3 =	vand.u32 $0x7, v3;
	v4 =	vand.u32 $0xFFFFFFC0, v4  }
0x23: {  	v3 =	vor.u32 v3, v4  }
0x24: {  	v4 =	vperm.xlane v3, v0;
	_ =	sdelay $0x1  }
0x25: {  	v4 =	vadd.s32 v1, v4;
	_ =	sdelay $0x4  }
0x26: {  	[hbm4b:s3+s2] =	stream.indirect_vreg.scatter [tilespmem:s18], [sflag:$0x1], $0x80, v4, vm0, $0xb8;
	[tilespmem:$0x10100] =	vst v63  }
0x27: {  	s19 =	simm.s32 $0x900;
	v3 =	vperm.xlane v3, v2  }
0x28: {  	[hbm4b:s4+s2] =	stream.indirect_vreg.scatter [tilespmem:s19], [sflag:$0x1], $0x80, v4, vm0, $0xb8;
	[tilespmem:$0x10100] =	vst v63  }
0x29: {  	s20 =	simm.s32 $0x1100;
	v3 =	vadd.s32 v1, v3  }
0x2a: {  	[hbm4b:s5+s2] =	stream.indirect_vreg.scatter [tilespmem:s20], [sflag:$0x1], $0x80, v4, vm0, $0xb8;
	[tilespmem:$0x10100] =	vst v63  }
0x2b: {  	_ = 	snop  }
0x2c: {  	[hbm4b:s6+s2] =	stream.indirect_vreg.scatter [tilespmem:s21], [sflag:$0x1], $0x80, v4, vm0, $0xb8;
	[tilespmem:$0x10100] =	vst v63  }
0x2d: {  	_ = 	snop  }
0x2e: {  	[hbm4b:s3+s2] =	stream.indirect_vreg.scatter [tilespmem:s22], [sflag:$0x1], $0x80, v3, vm0, $0xb8;
	[tilespmem:$0x10100] =	vst v63  }
0x2f: {  	_ = 	snop  }
0x30: {  	[hbm4b:s4+s2] =	stream.indirect_vreg.scatter [tilespmem:s23], [sflag:$0x1], $0x80, v3, vm0, $0xb8;
	[tilespmem:$0x10100] =	vst v63  }
0x31: {  	_ = 	snop  }
0x32: {  	[hbm4b:s5+s2] =	stream.indirect_vreg.scatter [tilespmem:s24], [sflag:$0x1], $0x80, v3, vm0, $0xb8;
	[tilespmem:$0x10100] =	vst v63  }
0x33: {  	_ = 	snop  }
0x34: {  	[hbm4b:s6+s2] =	stream.indirect_vreg.scatter [tilespmem:s25], [sflag:$0x1], $0x80, v3, vm0, $0xb8;
	[tilespmem:$0x10100] =	vst v63  }
0x35: {  	v3 =	vld [tilespmem:$0x10];
	_ =	sdelay $0x4  }
0x36: {  	v57 =	vshll.u32 v3, $0x3  }
0x37: {  	v3 =	vand.u32 $0x7, v3;
	v4 =	vand.u32 $0xFFFFFFC0, v57  }
0x38: {  	v3 =	vor.u32 v3, v4  }
0x39: {  	v4 =	vperm.xlane v3, v0;
	_ =	sdelay $0x1  }
0x3a: {  	v4 =	vadd.s32 v1, v4;
	_ =	sdelay $0x4  }
0x3b: {  	[hbm4b:s3+s2] =	stream.indirect_vreg.scatter [tilespmem:s26], [sflag:$0x1], $0x80, v4, vm0, $0xb8;
	[tilespmem:$0x10100] =	vst v63  }
0x3c: {  	v3 =	vperm.xlane v3, v2  }
0x3d: {  	[hbm4b:s4+s2] =	stream.indirect_vreg.scatter [tilespmem:s28], [sflag:$0x1], $0x80, v4, vm0, $0xb8;
	[tilespmem:$0x10100] =	vst v63  }
0x3e: {  	v3 =	vadd.s32 v1, v3  }
0x3f: {  	[hbm4b:s5+s2] =	stream.indirect_vreg.scatter [tilespmem:s29], [sflag:$0x1], $0x80, v4, vm0, $0xb8;
	[tilespmem:$0x10100] =	vst v63  }
0x40: {  	_ = 	snop  }
0x41: {  	[hbm4b:s6+s2] =	stream.indirect_vreg.scatter [tilespmem:s30], [sflag:$0x1], $0x80, v4, vm0, $0xb8;
	[tilespmem:$0x10100] =	vst v63  }
0x42: {  	_ = 	snop  }
0x43: {  	[hbm4b:s3+s2] =	stream.indirect_vreg.scatter [tilespmem:s31], [sflag:$0x1], $0x80, v3, vm0, $0xb8;
	[tilespmem:$0x10100] =	vst v63  }
0x44: {  	s1 =	simm.s32 $0x6900  }
0x45: {  	[hbm4b:s4+s2] =	stream.indirect_vreg.scatter [tilespmem:s1], [sflag:$0x1], $0x80, v3, vm0, $0xb8;
	[tilespmem:$0x10100] =	vst v63  }
0x46: {  	s0 =	simm.s32 $0x7100  }
0x47: {  	[hbm4b:s5+s2] =	stream.indirect_vreg.scatter [tilespmem:s0], [sflag:$0x1], $0x80, v3, vm0, $0xb8;
	[tilespmem:$0x10100] =	vst v63  }
0x48: {  	_ = 	snop  }
0x49: {  	[hbm4b:s6+s2] =	stream.indirect_vreg.scatter [tilespmem:s10], [sflag:$0x1], $0x80, v3, vm0, $0xb8;
	[tilespmem:$0x10100] =	vst v63  }
0x4a: {  	v3 =	vld [tilespmem:$0x20];
	_ =	sdelay $0x4  }
0x4b: {  	v58 =	vshll.u32 v3, $0x3  }
0x4c: {  	v3 =	vand.u32 $0x7, v3;
	v4 =	vand.u32 $0xFFFFFFC0, v58  }
0x4d: {  	v3 =	vor.u32 v3, v4  }
0x4e: {  	v4 =	vperm.xlane v3, v0;
	_ =	sdelay $0x1  }
0x4f: {  	v4 =	vadd.s32 v1, v4;
	_ =	sdelay $0x4  }
0x50: {  	[hbm4b:s3+s2] =	stream.indirect_vreg.scatter [tilespmem:s11], [sflag:$0x1], $0x80, v4, vm0, $0xb8;
	[tilespmem:$0x10100] =	vst v63  }
0x51: {  	v3 =	vperm.xlane v3, v2  }
0x52: {  	[hbm4b:s4+s2] =	stream.indirect_vreg.scatter [tilespmem:s12], [sflag:$0x1], $0x80, v4, vm0, $0xb8;
	[tilespmem:$0x10100] =	vst v63  }
0x53: {  	v3 =	vadd.s32 v1, v3  }
0x54: {  	[hbm4b:s5+s2] =	stream.indirect_vreg.scatter [tilespmem:s13], [sflag:$0x1], $0x80, v4, vm0, $0xb8;
	[tilespmem:$0x10100] =	vst v63  }
0x55: {  	_ = 	snop  }
0x56: {  	[hbm4b:s6+s2] =	stream.indirect_vreg.scatter [tilespmem:s14], [sflag:$0x1], $0x80, v4, vm0, $0xb8;
	[tilespmem:$0x10100] =	vst v63  }
0x57: {  	_ = 	snop  }
0x58: {  	[hbm4b:s3+s2] =	stream.indirect_vreg.scatter [tilespmem:s15], [sflag:$0x1], $0x80, v3, vm0, $0xb8;
	[tilespmem:$0x10100] =	vst v63  }
0x59: {  	_ = 	snop  }
0x5a: {  	[hbm4b:s4+s2] =	stream.indirect_vreg.scatter [tilespmem:s16], [sflag:$0x1], $0x80, v3, vm0, $0xb8;
	[tilespmem:$0x10100] =	vst v63  }
0x5b: {  	_ = 	snop  }
0x5c: {  	[hbm4b:s5+s2] =	stream.indirect_vreg.scatter [tilespmem:s17], [sflag:$0x1], $0x80, v3, vm0, $0xb8;
	[tilespmem:$0x10100] =	vst v63  }
0x5d: {  	_ = 	snop  }
0x5e: {  	[hbm4b:s6+s2] =	stream.indirect_vreg.scatter [tilespmem:s9], [sflag:$0x1], $0x80, v3, vm0, $0xb8;
	[tilespmem:$0x10100] =	vst v63  }
0x5f: {  	v3 =	vld [tilespmem:$0x30];
	_ =	sdelay $0x4  }
0x60: {  	v59 =	vshll.u32 v3, $0x3  }
0x61: {  	v3 =	vand.u32 $0x7, v3;
	v4 =	vand.u32 $0xFFFFFFC0, v59  }
0x62: {  	v3 =	vor.u32 v3, v4  }
0x63: {  	v4 =	vperm.xlane v3, v0;
	_ =	sdelay $0x1  }
0x64: {  	v4 =	vadd.s32 v1, v4;
	_ =	sdelay $0x3  }
0x65: {  	s0 =	simm.s32 $0xC100  }
0x66: {  	[hbm4b:s3+s2] =	stream.indirect_vreg.scatter [tilespmem:s0], [sflag:$0x1], $0x80, v4, vm0, $0xb8;
	[tilespmem:$0x10100] =	vst v63  }
0x67: {  	v3 =	vperm.xlane v3, v2;
	s0 =	simm.s32 $0xC900  }
0x68: {  	[hbm4b:s4+s2] =	stream.indirect_vreg.scatter [tilespmem:s0], [sflag:$0x1], $0x80, v4, vm0, $0xb8;
	[tilespmem:$0x10100] =	vst v63  }
0x69: {  	v3 =	vadd.s32 v1, v3;
	s0 =	simm.s32 $0xD100  }
0x6a: {  	[hbm4b:s5+s2] =	stream.indirect_vreg.scatter [tilespmem:s0], [sflag:$0x1], $0x80, v4, vm0, $0xb8;
	[tilespmem:$0x10100] =	vst v63  }
0x6b: {  	s0 =	simm.s32 $0xD900  }
0x6c: {  	[hbm4b:s6+s2] =	stream.indirect_vreg.scatter [tilespmem:s0], [sflag:$0x1], $0x80, v4, vm0, $0xb8;
	[tilespmem:$0x10100] =	vst v63  }
0x6d: {  	s0 =	simm.s32 $0xE100  }
0x6e: {  	[hbm4b:s3+s2] =	stream.indirect_vreg.scatter [tilespmem:s0], [sflag:$0x1], $0x80, v3, vm0, $0xb8;
	[tilespmem:$0x10100] =	vst v63  }
0x6f: {  	s0 =	simm.s32 $0xE900  }
0x70: {  	[hbm4b:s4+s2] =	stream.indirect_vreg.scatter [tilespmem:s0], [sflag:$0x1], $0x80, v3, vm0, $0xb8;
	[tilespmem:$0x10100] =	vst v63  }
0x71: {  	s0 =	simm.s32 $0xF100  }
0x72: {  	[hbm4b:s5+s2] =	stream.indirect_vreg.scatter [tilespmem:s0], [sflag:$0x1], $0x80, v3, vm0, $0xb8;
	[tilespmem:$0x10100] =	vst v63  }
0x73: {  	s0 =	simm.s32 $0xF900  }
0x74: {  	[hbm4b:s6+s2] =	stream.indirect_vreg.scatter [tilespmem:s0], [sflag:$0x1], $0x80, v3, vm0, $0xb8;
	[tilespmem:$0x10100] =	vst v63  }
0x75: {  	v3 =	vld [tilespmem:$0x80];
	_ =	sdelay $0x4  }
0x76: {  	v60 =	vshll.u32 v3, $0x3  }
0x77: {  	v3 =	vand.u32 $0x7, v3;
	v4 =	vand.u32 $0xFFFFFFC0, v60  }
0x78: {  	v3 =	vor.u32 v3, v4  }
0x79: {  	v4 =	vperm.xlane v3, v0;
	_ =	sdelay $0x1  }
0x7a: {  	v4 =	vadd.s32 v1, v4;
	_ =	sdelay $0x4  }
0x7b: {  	[hbm4b:s3+s2] =	stream.indirect_vreg.scatter [tilespmem:s18], [sflag:$0x1], $0x80, v4, vm0, $0xb8;
	[tilespmem:$0x10100] =	vst v63  }
0x7c: {  	v3 =	vperm.xlane v3, v2  }
0x7d: {  	[hbm4b:s4+s2] =	stream.indirect_vreg.scatter [tilespmem:s19], [sflag:$0x1], $0x80, v4, vm0, $0xb8;
	[tilespmem:$0x10100] =	vst v63  }
0x7e: {  	v3 =	vadd.s32 v1, v3  }
0x7f: {  	[hbm4b:s5+s2] =	stream.indirect_vreg.scatter [tilespmem:s20], [sflag:$0x1], $0x80, v4, vm0, $0xb8;
	[tilespmem:$0x10100] =	vst v63  }
0x80: {  	_ = 	snop  }
0x81: {  	[hbm4b:s6+s2] =	stream.indirect_vreg.scatter [tilespmem:s21], [sflag:$0x1], $0x80, v4, vm0, $0xb8;
	[tilespmem:$0x10100] =	vst v63  }
0x82: {  	_ = 	snop  }
0x83: {  	[hbm4b:s3+s2] =	stream.indirect_vreg.scatter [tilespmem:s22], [sflag:$0x1], $0x80, v3, vm0, $0xb8;
	[tilespmem:$0x10100] =	vst v63  }
0x84: {  	_ = 	snop  }
0x85: {  	[hbm4b:s4+s2] =	stream.indirect_vreg.scatter [tilespmem:s23], [sflag:$0x1], $0x80, v3, vm0, $0xb8;
	[tilespmem:$0x10100] =	vst v63  }
0x86: {  	_ = 	snop  }
0x87: {  	[hbm4b:s5+s2] =	stream.indirect_vreg.scatter [tilespmem:s24], [sflag:$0x1], $0x80, v3, vm0, $0xb8;
	[tilespmem:$0x10100] =	vst v63  }
0x88: {  	_ = 	snop  }
0x89: {  	[hbm4b:s6+s2] =	stream.indirect_vreg.scatter [tilespmem:s25], [sflag:$0x1], $0x80, v3, vm0, $0xb8;
	[tilespmem:$0x10100] =	vst v63  }
0x8a: {  	v3 =	vld [tilespmem:$0x90];
	_ =	sdelay $0x4  }
0x8b: {  	v61 =	vshll.u32 v3, $0x3  }
0x8c: {  	v3 =	vand.u32 $0x7, v3;
	v4 =	vand.u32 $0xFFFFFFC0, v61  }
0x8d: {  	v3 =	vor.u32 v3, v4  }
0x8e: {  	v4 =	vperm.xlane v3, v0;
	_ =	sdelay $0x1  }
0x8f: {  	v4 =	vadd.s32 v1, v4;
	_ =	sdelay $0x4  }
0x90: {  	[hbm4b:s3+s2] =	stream.indirect_vreg.scatter [tilespmem:s26], [sflag:$0x1], $0x80, v4, vm0, $0xb8;
	[tilespmem:$0x10100] =	vst v63  }
0x91: {  	v3 =	vperm.xlane v3, v2  }
0x92: {  	[hbm4b:s4+s2] =	stream.indirect_vreg.scatter [tilespmem:s28], [sflag:$0x1], $0x80, v4, vm0, $0xb8;
	[tilespmem:$0x10100] =	vst v63  }
0x93: {  	v3 =	vadd.s32 v1, v3  }
0x94: {  	[hbm4b:s5+s2] =	stream.indirect_vreg.scatter [tilespmem:s29], [sflag:$0x1], $0x80, v4, vm0, $0xb8;
	[tilespmem:$0x10100] =	vst v63  }
0x95: {  	_ = 	snop  }
0x96: {  	[hbm4b:s6+s2] =	stream.indirect_vreg.scatter [tilespmem:s30], [sflag:$0x1], $0x80, v4, vm0, $0xb8;
	[tilespmem:$0x10100] =	vst v63  }
0x97: {  	_ = 	snop  }
0x98: {  	[hbm4b:s3+s2] =	stream.indirect_vreg.scatter [tilespmem:s31], [sflag:$0x1], $0x80, v3, vm0, $0xb8;
	[tilespmem:$0x10100] =	vst v63  }
0x99: {  	_ = 	snop  }
0x9a: {  	[hbm4b:s4+s2] =	stream.indirect_vreg.scatter [tilespmem:s1], [sflag:$0x1], $0x80, v3, vm0, $0xb8;
	[tilespmem:$0x10100] =	vst v63  }
0x9b: {  	s20 =	simm.s32 $0x7100  }
0x9c: {  	[hbm4b:s5+s2] =	stream.indirect_vreg.scatter [tilespmem:s20], [sflag:$0x1], $0x80, v3, vm0, $0xb8;
	[tilespmem:$0x10100] =	vst v63  }
0x9d: {  	_ = 	snop  }
0x9e: {  	[hbm4b:s6+s2] =	stream.indirect_vreg.scatter [tilespmem:s10], [sflag:$0x1], $0x80, v3, vm0, $0xb8;
	[tilespmem:$0x10100] =	vst v63  }
0x9f: {  	v3 =	vld [tilespmem:$0xA0];
	_ =	sdelay $0x4  }
0xa0: {  	v62 =	vshll.u32 v3, $0x3  }
0xa1: {  	v3 =	vand.u32 $0x7, v3;
	v4 =	vand.u32 $0xFFFFFFC0, v62  }
0xa2: {  	v3 =	vor.u32 v3, v4  }
0xa3: {  	v4 =	vperm.xlane v3, v0;
	_ =	sdelay $0x1  }
0xa4: {  	v4 =	vadd.s32 v1, v4;
	_ =	sdelay $0x4  }
0xa5: {  	[hbm4b:s3+s2] =	stream.indirect_vreg.scatter [tilespmem:s11], [sflag:$0x1], $0x80, v4, vm0, $0xb8;
	[tilespmem:$0x10100] =	vst v63  }
0xa6: {  	v3 =	vperm.xlane v3, v2  }
0xa7: {  	[hbm4b:s4+s2] =	stream.indirect_vreg.scatter [tilespmem:s12], [sflag:$0x1], $0x80, v4, vm0, $0xb8;
	[tilespmem:$0x10100] =	vst v63  }
0xa8: {  	v3 =	vadd.s32 v1, v3  }
0xa9: {  	[hbm4b:s5+s2] =	stream.indirect_vreg.scatter [tilespmem:s13], [sflag:$0x1], $0x80, v4, vm0, $0xb8;
	[tilespmem:$0x10100] =	vst v63  }
0xaa: {  	_ = 	snop  }
0xab: {  	[hbm4b:s6+s2] =	stream.indirect_vreg.scatter [tilespmem:s14], [sflag:$0x1], $0x80, v4, vm0, $0xb8;
	[tilespmem:$0x10100] =	vst v63  }
0xac: {  	_ = 	snop  }
0xad: {  	[hbm4b:s3+s2] =	stream.indirect_vreg.scatter [tilespmem:s15], [sflag:$0x1], $0x80, v3, vm0, $0xb8;
	[tilespmem:$0x10100] =	vst v63  }
0xae: {  	_ = 	snop  }
0xaf: {  	[hbm4b:s4+s2] =	stream.indirect_vreg.scatter [tilespmem:s16], [sflag:$0x1], $0x80, v3, vm0, $0xb8;
	[tilespmem:$0x10100] =	vst v63  }
0xb0: {  	_ = 	snop  }
0xb1: {  	[hbm4b:s5+s2] =	stream.indirect_vreg.scatter [tilespmem:s17], [sflag:$0x1], $0x80, v3, vm0, $0xb8;
	[tilespmem:$0x10100] =	vst v63  }
0xb2: {  	_ = 	snop  }
0xb3: {  	[hbm4b:s6+s2] =	stream.indirect_vreg.scatter [tilespmem:s9], [sflag:$0x1], $0x80, v3, vm0, $0xb8;
	[tilespmem:$0x10100] =	vst v63  }
0xb4: {  	v3 =	vld [tilespmem:$0xB0];
	_ =	sdelay $0x4  }
0xb5: {  	v63 =	vshll.u32 v3, $0x3  }
0xb6: {  	v3 =	vand.u32 $0x7, v3;
	v4 =	vand.u32 $0xFFFFFFC0, v63  }
0xb7: {  	v3 =	vor.u32 v3, v4  }
0xb8: {  	v4 =	vperm.xlane v3, v0;
	_ =	sdelay $0x1  }
0xb9: {  	v4 =	vadd.s32 v1, v4;
	_ =	sdelay $0x3  }
0xba: {  	s19 =	simm.s32 $0xC100  }
0xbb: {  	[hbm4b:s3+s2] =	stream.indirect_vreg.scatter [tilespmem:s19], [sflag:$0x1], $0x80, v4, vm0, $0xb8;
	[tilespmem:$0x10100] =	vst v63  }
0xbc: {  	s20 =	simm.s32 $0xC900;
	v3 =	vperm.xlane v3, v2  }
0xbd: {  	[hbm4b:s4+s2] =	stream.indirect_vreg.scatter [tilespmem:s20], [sflag:$0x1], $0x80, v4, vm0, $0xb8;
	[tilespmem:$0x10100] =	vst v63  }
0xbe: {  	v3 =	vadd.s32 v1, v3;
	s19 =	simm.s32 $0xD100  }
0xbf: {  	[hbm4b:s5+s2] =	stream.indirect_vreg.scatter [tilespmem:s19], [sflag:$0x1], $0x80, v4, vm0, $0xb8;
	[tilespmem:$0x10100] =	vst v63  }
0xc0: {  	s20 =	simm.s32 $0xD900  }
0xc1: {  	[hbm4b:s6+s2] =	stream.indirect_vreg.scatter [tilespmem:s20], [sflag:$0x1], $0x80, v4, vm0, $0xb8;
	[tilespmem:$0x10100] =	vst v63  }
0xc2: {  	s19 =	simm.s32 $0xE100  }
0xc3: {  	[hbm4b:s3+s2] =	stream.indirect_vreg.scatter [tilespmem:s19], [sflag:$0x1], $0x80, v3, vm0, $0xb8;
	[tilespmem:$0x10100] =	vst v63  }
0xc4: {  	s20 =	simm.s32 $0xE900  }
0xc5: {  	[hbm4b:s4+s2] =	stream.indirect_vreg.scatter [tilespmem:s20], [sflag:$0x1], $0x80, v3, vm0, $0xb8;
	[tilespmem:$0x10100] =	vst v63  }
0xc6: {  	s19 =	simm.s32 $0xF100  }
0xc7: {  	[hbm4b:s5+s2] =	stream.indirect_vreg.scatter [tilespmem:s19], [sflag:$0x1], $0x80, v3, vm0, $0xb8;
	[tilespmem:$0x10100] =	vst v63  }
0xc8: {  	s20 =	simm.s32 $0x1  }
0xc9: {  	[hbm4b:s6+s2] =	stream.indirect_vreg.scatter [tilespmem:s0], [sflag:$0x1], $0x80, v3, vm0, $0xb8;
	[tilespmem:$0x10100] =	vst v63  }
0xca: {  	p0 =	sne.s32 s7, $0x1;
	_ =	swait.ge [sflag:s20], $0x10000  }
.Ltmp0:
0xcb: {  	[sflag:s20] =	ssyncset.done $0x0;
	(pc) =	sbr.rel @p0 .LBB2_1-.Ltmp0, $4  }
0xcc: {  	[sflag:s20] =	ssyncadd.s32 $0xFFFF0000  }
0xcd: {  	_ =	swait.ge [sflag:s20], $0x10000  }
0xce: {  	[sflag:s20] =	ssyncset.done $0x0  }
0xcf: {  	s7 =	sadd.s32 $0xFFFFFFFF, s7;
	[sflag:s20] =	ssyncadd.s32 $0xFFFF0000  }
0xd0: {  	_ =	sfence.sel $0x180000  }
0xd1: {  	[bflag:$0x0] =	sbarrier.arrive $0xFFFF  }
0xd2: {  	_ =	strace $0x90000047  }
0xd3: {  	s0 =	stileid.u32;
	[bflag:$0x2] =	sbarrier.arrive $0xFFFF  }
0xd4: {  	p0 =	sne.s32 s0, $0x0;
	s0 =	rddreg [dreg:$0x2]  }
0xd5: {  	s0 =	sadd.s32 @!p0 $0x100000, s0  }
0xd6: {  	[sflag:s0] =	ssyncadd.tile.s32 @!p0 $0x1;
	_ =	shalt  }
.Lfunc_end2:
_tile_overlayer_lowered:
.L_overlay_start_2:
0xd7: {  	(tag) =	ssettag $0x2  }
0xd8: {  	s0 =	rddreg [dreg:$0x0];
	s2 =	stileid.u32  }
0xd9: {  	s1 =	rddreg [dreg:$0x1];
	p0 =	sne.s32 s2, $0x0  }
0xda: {  	s3 =	rddreg [dreg:$0x2];
	[bflag:$0x3] =	sbarrier.arrive $0xFFFF;
	s2 =	simm.s32 @!p0 $0x1C02  }
0xdb: {  	[timem:s3], [sflag:s2] =	dma.local @!p0 [hbm:s0], s1  }
0xdc: {  	s0 =	simm.s32 @!p0 $0x2  }
0xdd: {  	_ =	swait.ge @!p0 [sflag:s0], s1  }
0xde: {  	s1 =	ssub.s32 @!p0 $0x0, s1;
	[sflag:s0] =	ssyncset.done @!p0 $0x0  }
0xdf: {  	[sflag:s0] =	ssyncadd.s32 @!p0 s1  }
0xe0: {  	[bflag:$0x3] =	sbarrier.arrive $0xFFFF  }
0xe1: {  	_ =	shalt  }

</sc_bundles>
